<compile_context>
chip_gen: v7x
topology: tpu7x:2x2x1
jax: 0.10.2.dev20260603
libtpu: 0.0.44.dev20260713+nightly
codegen_flags: <defaults>
</compile_context>

<pallas_src>
import functools

import jax
import jax.numpy as jnp
from jax import lax
from jax.experimental import pallas as pl
from jax.experimental.pallas import tpu as pltpu
from jax.experimental.pallas import tpu_sc as plsc

_CPC = 4
_CHUNKS_PER_W = 8


def _prelude(f_ref, fn_ref):
    f = f_ref[...]
    nrm = jnp.sqrt(jnp.sum(f * f, axis=1, keepdims=True))
    fn_ref[...] = (f / jnp.maximum(nrm, 1e-12))[None]


def _sc_body(p_hbm, po_hbm, buf, *, n_chunks):
    wid = lax.axis_index("s") * 2 + lax.axis_index("c")

    for t in range(_CHUNKS_PER_W):
        k = wid * _CHUNKS_PER_W + t
        base = k * _CPC

        @pl.when(k < n_chunks)
        def _():
            sl = pl.ds(base, _CPC)
            pltpu.sync_copy(p_hbm.at[sl], buf)
            pltpu.sync_copy(buf, po_hbm.at[sl])


def _counts_body(cid_ref, c_ref, co_ref):
    co_ref[...] = c_ref[...]
    cid = cid_ref[0]
    co_ref[pl.ds(cid, 1), :] = jnp.ones((1, co_ref.shape[1]), jnp.int32)


def _patch(cid_ref, fn_ref, po_in, po_blk):
    del po_in
    po_blk[...] = fn_ref[...]


def kernel(features, prototypes, counts, class_id):
    C, P, D = prototypes.shape
    n_add = min(features.shape[0], P)
    feats = features[:n_add]
    cid = jnp.asarray(class_id, jnp.int32).reshape((1,))

    fn = pl.pallas_call(
        _prelude,
        out_shape=jax.ShapeDtypeStruct((1, n_add, D), jnp.float32),
    )(feats)

    counts_out = pl.pallas_call(
        _counts_body,
        grid_spec=pltpu.PrefetchScalarGridSpec(
            num_scalar_prefetch=1,
            grid=(1,),
            in_specs=[pl.BlockSpec((C, P), lambda i, c: (0, 0))],
            out_specs=pl.BlockSpec((C, P), lambda i, c: (0, 0)),
        ),
        out_shape=jax.ShapeDtypeStruct((C, P), jnp.int32),
    )(cid, counts)

    assert C % _CPC == 0
    n_chunks = C // _CPC

    mesh = plsc.VectorSubcoreMesh(core_axis_name="c", subcore_axis_name="s")
    sc = pl.kernel(
        functools.partial(_sc_body, n_chunks=n_chunks),
        mesh=mesh,
        out_type=jax.ShapeDtypeStruct((C, P, D), jnp.float32),
        scratch_types=[pltpu.VMEM((_CPC, P, D), jnp.float32)],
    )
    po0 = sc(prototypes)

    del fn
    return po0, counts_out

# --- scband reference (transcript-rebuilt; emitter-appended) ---
"""Pipeline reference for scband-prototype-bank-1331439862040 (READ-ONLY COPY).

The authoritative reference and input builder live on the scoring server;
editing this copy changes nothing except your own understanding.
"""

import jax, jax.numpy as jnp
import numpy as np

NUM_CLASSES = 1000
FEATURE_DIM = 128
MAX_PROTOS = 100
NUM_FEATURES = 2048


def normalize_features(x, eps=1e-12):
    # Mirrors torch.nn.functional.normalize(x, p=2, dim=1)
    norm = jnp.sqrt(jnp.sum(x * x, axis=1, keepdims=True))
    return x / jnp.maximum(norm, eps)


def setup_inputs(seed: int = 0) -> dict:
    key = jax.random.key(seed)
    features = jax.random.normal(jax.random.fold_in(key, 0), (NUM_FEATURES, FEATURE_DIM), dtype=jnp.float32)
    # Persistent buffers of the PrototypeBank, flattened into stacked arrays:
    # class_{i}_prototypes -> prototypes[i], class_{i}_counts -> counts[i]
    prototypes = jnp.zeros((NUM_CLASSES, MAX_PROTOS, FEATURE_DIM), dtype=jnp.float32)
    counts = jnp.zeros((NUM_CLASSES, MAX_PROTOS), dtype=jnp.int32)
    class_id = 7
    return {"features": features, "prototypes": prototypes, "counts": counts, "class_id": class_id}


def reference(features, prototypes, counts, class_id):
    # add_prototypes: normalize features, overwrite-scatter the first
    # num_to_add rows of the target class's prototype buffer, set counts=1.
    feats_norm = normalize_features(features)
    num_to_add = min(features.shape[0], prototypes.shape[1])
    new_prototypes = prototypes.at[class_id, :num_to_add].set(feats_norm[:num_to_add])
    new_counts = counts.at[class_id, :num_to_add].set(1)
    return new_prototypes, new_counts

if __name__ == "__main__":
    import jax
    _d = setup_inputs()
    print(jax.jit(kernel)(*tuple(_d.values())))

</pallas_src>

<mosaic_0001>
#map = affine_map<(d0, d1) -> (0, 0, 0)>
module attributes {stable_mosaic.version = 14 : i64} {
  func.func @_sc_body(%arg0: i32, %arg1: i32, %arg2: memref<1000x100x128xf32, #tpu.memory_space<hbm>>, %arg3: memref<1000x100x128xf32, #tpu.memory_space<hbm>>, %arg4: memref<4x100x128xf32, #tpu.memory_space<vmem>>) attributes {dimension_semantics = [#tpu.dimension_semantics<core_parallel>, #tpu.dimension_semantics<subcore_parallel>], iteration_bounds = array<i64: 2, 16>, scalar_prefetch = 0 : i64, scratch_operands = 1 : i64, tpu.core_type = #tpu.core_type<sc_vector_subcore>, window_params = [{transform_indices = #map}, {transform_indices = #map}]} {
    %mul3A = arith.constant 2 : i32
    %mul3A_0 = arith.muli %arg1, %mul3A : i32
    %add3A = arith.addi %mul3A_0, %arg0 : i32
    %mul3A_1 = arith.constant 8 : i32
    %mul3A_2 = arith.muli %add3A, %mul3A_1 : i32
    %add3A_3 = arith.constant 0 : i32
    %add3A_4 = arith.addi %mul3A_2, %add3A_3 : i32
    %mul3A_5 = arith.constant 4 : i32
    %mul3A_6 = arith.muli %add3A_4, %mul3A_5 : i32
    %lt3A = arith.constant 250 : i32
    %lt3A_7 = arith.cmpi slt, %add3A_4, %lt3A : i32
    %convert_element_type3A = arith.extui %lt3A_7 : i1 to i32
    %cond3A = arith.constant 0 : i32
    %cond3A_8 = arith.cmpi ne, %convert_element_type3A, %cond3A : i32
    scf.if %cond3A_8 {
      "tpu.region"() ({
        %run_scoped3A = tpu.sem_alloc : memref<!tpu.dma_semaphore, #tpu.memory_space<semaphore_mem>>
        %dma_start3A = arith.constant 0 : i32
        %dma_start3A_86 = arith.constant 0 : i32
        %dma_start3A_87 = tpu.memref_slice %arg2[%mul3A_6, %dma_start3A, %dma_start3A_86] : memref<1000x100x128xf32, #tpu.memory_space<hbm>> -> memref<4x100x128xf32, #tpu.memory_space<hbm>>
        %dma_start3A_88 = arith.constant 0 : i32
        %dma_start3A_89 = arith.constant 0 : i32
        %dma_start3A_90 = tpu.memref_slice %arg2[%mul3A_6, %dma_start3A_88, %dma_start3A_89] : memref<1000x100x128xf32, #tpu.memory_space<hbm>> -> memref<4x100x128xf32, #tpu.memory_space<hbm>>
        tpu.enqueue_dma source(%dma_start3A_90 : memref<4x100x128xf32, #tpu.memory_space<hbm>>) target(%arg4 : memref<4x100x128xf32, #tpu.memory_space<vmem>>) target_semaphore(%run_scoped3A : memref<!tpu.dma_semaphore, #tpu.memory_space<semaphore_mem>>)
        %dma_wait3A = arith.constant 0 : i32
        %dma_wait3A_91 = arith.constant 0 : i32
        %dma_wait3A_92 = tpu.memref_slice %arg2[%mul3A_6, %dma_wait3A, %dma_wait3A_91] : memref<1000x100x128xf32, #tpu.memory_space<hbm>> -> memref<4x100x128xf32, #tpu.memory_space<hbm>>
        %dma_wait3A_93 = arith.constant 0 : i32
        %dma_wait3A_94 = arith.constant 0 : i32
        %dma_wait3A_95 = tpu.memref_slice %arg2[%mul3A_6, %dma_wait3A_93, %dma_wait3A_94] : memref<1000x100x128xf32, #tpu.memory_space<hbm>> -> memref<4x100x128xf32, #tpu.memory_space<hbm>>
        tpu.wait_dma2 semaphore(%run_scoped3A : memref<!tpu.dma_semaphore, #tpu.memory_space<semaphore_mem>>) src(%dma_wait3A_95 : memref<4x100x128xf32, #tpu.memory_space<hbm>>) dst(%arg4 : memref<4x100x128xf32, #tpu.memory_space<vmem>>)
        tpu.yield
      }) : () -> ()
      "tpu.region"() ({
        %run_scoped3A = tpu.sem_alloc : memref<!tpu.dma_semaphore, #tpu.memory_space<semaphore_mem>>
        %dma_start3A = arith.constant 0 : i32
        %dma_start3A_86 = arith.constant 0 : i32
        %dma_start3A_87 = tpu.memref_slice %arg3[%mul3A_6, %dma_start3A, %dma_start3A_86] : memref<1000x100x128xf32, #tpu.memory_space<hbm>> -> memref<4x100x128xf32, #tpu.memory_space<hbm>>
        %dma_start3A_88 = arith.constant 0 : i32
        %dma_start3A_89 = arith.constant 0 : i32
        %dma_start3A_90 = tpu.memref_slice %arg3[%mul3A_6, %dma_start3A_88, %dma_start3A_89] : memref<1000x100x128xf32, #tpu.memory_space<hbm>> -> memref<4x100x128xf32, #tpu.memory_space<hbm>>
        tpu.enqueue_dma source(%arg4 : memref<4x100x128xf32, #tpu.memory_space<vmem>>) target(%dma_start3A_90 : memref<4x100x128xf32, #tpu.memory_space<hbm>>) target_semaphore(%run_scoped3A : memref<!tpu.dma_semaphore, #tpu.memory_space<semaphore_mem>>)
        %dma_wait3A = arith.constant 0 : i32
        %dma_wait3A_91 = arith.constant 0 : i32
        %dma_wait3A_92 = tpu.memref_slice %arg3[%mul3A_6, %dma_wait3A, %dma_wait3A_91] : memref<1000x100x128xf32, #tpu.memory_space<hbm>> -> memref<4x100x128xf32, #tpu.memory_space<hbm>>
        %dma_wait3A_93 = arith.constant 0 : i32
        %dma_wait3A_94 = arith.constant 0 : i32
        %dma_wait3A_95 = tpu.memref_slice %arg3[%mul3A_6, %dma_wait3A_93, %dma_wait3A_94] : memref<1000x100x128xf32, #tpu.memory_space<hbm>> -> memref<4x100x128xf32, #tpu.memory_space<hbm>>
        tpu.wait_dma2 semaphore(%run_scoped3A : memref<!tpu.dma_semaphore, #tpu.memory_space<semaphore_mem>>) src(%arg4 : memref<4x100x128xf32, #tpu.memory_space<vmem>>) dst(%dma_wait3A_95 : memref<4x100x128xf32, #tpu.memory_space<hbm>>)
        tpu.yield
      }) : () -> ()
    } else {
    }
    %mul3A_9 = arith.constant 8 : i32
    %mul3A_10 = arith.muli %add3A, %mul3A_9 : i32
    %add3A_11 = arith.constant 1 : i32
    %add3A_12 = arith.addi %mul3A_10, %add3A_11 : i32
    %mul3A_13 = arith.constant 4 : i32
    %mul3A_14 = arith.muli %add3A_12, %mul3A_13 : i32
    %lt3A_15 = arith.constant 250 : i32
    %lt3A_16 = arith.cmpi slt, %add3A_12, %lt3A_15 : i32
    %convert_element_type3A_17 = arith.extui %lt3A_16 : i1 to i32
    %cond3A_18 = arith.constant 0 : i32
    %cond3A_19 = arith.cmpi ne, %convert_element_type3A_17, %cond3A_18 : i32
    scf.if %cond3A_19 {
      "tpu.region"() ({
        %run_scoped3A = tpu.sem_alloc : memref<!tpu.dma_semaphore, #tpu.memory_space<semaphore_mem>>
        %dma_start3A = arith.constant 0 : i32
        %dma_start3A_86 = arith.constant 0 : i32
        %dma_start3A_87 = tpu.memref_slice %arg2[%mul3A_14, %dma_start3A, %dma_start3A_86] : memref<1000x100x128xf32, #tpu.memory_space<hbm>> -> memref<4x100x128xf32, #tpu.memory_space<hbm>>
        %dma_start3A_88 = arith.constant 0 : i32
        %dma_start3A_89 = arith.constant 0 : i32
        %dma_start3A_90 = tpu.memref_slice %arg2[%mul3A_14, %dma_start3A_88, %dma_start3A_89] : memref<1000x100x128xf32, #tpu.memory_space<hbm>> -> memref<4x100x128xf32, #tpu.memory_space<hbm>>
        tpu.enqueue_dma source(%dma_start3A_90 : memref<4x100x128xf32, #tpu.memory_space<hbm>>) target(%arg4 : memref<4x100x128xf32, #tpu.memory_space<vmem>>) target_semaphore(%run_scoped3A : memref<!tpu.dma_semaphore, #tpu.memory_space<semaphore_mem>>)
        %dma_wait3A = arith.constant 0 : i32
        %dma_wait3A_91 = arith.constant 0 : i32
        %dma_wait3A_92 = tpu.memref_slice %arg2[%mul3A_14, %dma_wait3A, %dma_wait3A_91] : memref<1000x100x128xf32, #tpu.memory_space<hbm>> -> memref<4x100x128xf32, #tpu.memory_space<hbm>>
        %dma_wait3A_93 = arith.constant 0 : i32
        %dma_wait3A_94 = arith.constant 0 : i32
        %dma_wait3A_95 = tpu.memref_slice %arg2[%mul3A_14, %dma_wait3A_93, %dma_wait3A_94] : memref<1000x100x128xf32, #tpu.memory_space<hbm>> -> memref<4x100x128xf32, #tpu.memory_space<hbm>>
        tpu.wait_dma2 semaphore(%run_scoped3A : memref<!tpu.dma_semaphore, #tpu.memory_space<semaphore_mem>>) src(%dma_wait3A_95 : memref<4x100x128xf32, #tpu.memory_space<hbm>>) dst(%arg4 : memref<4x100x128xf32, #tpu.memory_space<vmem>>)
        tpu.yield
      }) : () -> ()
      "tpu.region"() ({
        %run_scoped3A = tpu.sem_alloc : memref<!tpu.dma_semaphore, #tpu.memory_space<semaphore_mem>>
        %dma_start3A = arith.constant 0 : i32
        %dma_start3A_86 = arith.constant 0 : i32
        %dma_start3A_87 = tpu.memref_slice %arg3[%mul3A_14, %dma_start3A, %dma_start3A_86] : memref<1000x100x128xf32, #tpu.memory_space<hbm>> -> memref<4x100x128xf32, #tpu.memory_space<hbm>>
        %dma_start3A_88 = arith.constant 0 : i32
        %dma_start3A_89 = arith.constant 0 : i32
        %dma_start3A_90 = tpu.memref_slice %arg3[%mul3A_14, %dma_start3A_88, %dma_start3A_89] : memref<1000x100x128xf32, #tpu.memory_space<hbm>> -> memref<4x100x128xf32, #tpu.memory_space<hbm>>
        tpu.enqueue_dma source(%arg4 : memref<4x100x128xf32, #tpu.memory_space<vmem>>) target(%dma_start3A_90 : memref<4x100x128xf32, #tpu.memory_space<hbm>>) target_semaphore(%run_scoped3A : memref<!tpu.dma_semaphore, #tpu.memory_space<semaphore_mem>>)
        %dma_wait3A = arith.constant 0 : i32
        %dma_wait3A_91 = arith.constant 0 : i32
        %dma_wait3A_92 = tpu.memref_slice %arg3[%mul3A_14, %dma_wait3A, %dma_wait3A_91] : memref<1000x100x128xf32, #tpu.memory_space<hbm>> -> memref<4x100x128xf32, #tpu.memory_space<hbm>>
        %dma_wait3A_93 = arith.constant 0 : i32
        %dma_wait3A_94 = arith.constant 0 : i32
        %dma_wait3A_95 = tpu.memref_slice %arg3[%mul3A_14, %dma_wait3A_93, %dma_wait3A_94] : memref<1000x100x128xf32, #tpu.memory_space<hbm>> -> memref<4x100x128xf32, #tpu.memory_space<hbm>>
        tpu.wait_dma2 semaphore(%run_scoped3A : memref<!tpu.dma_semaphore, #tpu.memory_space<semaphore_mem>>) src(%arg4 : memref<4x100x128xf32, #tpu.memory_space<vmem>>) dst(%dma_wait3A_95 : memref<4x100x128xf32, #tpu.memory_space<hbm>>)
        tpu.yield
      }) : () -> ()
    } else {
    }
    %mul3A_20 = arith.constant 8 : i32
    %mul3A_21 = arith.muli %add3A, %mul3A_20 : i32
    %add3A_22 = arith.constant 2 : i32
    %add3A_23 = arith.addi %mul3A_21, %add3A_22 : i32
    %mul3A_24 = arith.constant 4 : i32
    %mul3A_25 = arith.muli %add3A_23, %mul3A_24 : i32
    %lt3A_26 = arith.constant 250 : i32
    %lt3A_27 = arith.cmpi slt, %add3A_23, %lt3A_26 : i32
    %convert_element_type3A_28 = arith.extui %lt3A_27 : i1 to i32
    %cond3A_29 = arith.constant 0 : i32
    %cond3A_30 = arith.cmpi ne, %convert_element_type3A_28, %cond3A_29 : i32
    scf.if %cond3A_30 {
      "tpu.region"() ({
        %run_scoped3A = tpu.sem_alloc : memref<!tpu.dma_semaphore, #tpu.memory_space<semaphore_mem>>
        %dma_start3A = arith.constant 0 : i32
        %dma_start3A_86 = arith.constant 0 : i32
        %dma_start3A_87 = tpu.memref_slice %arg2[%mul3A_25, %dma_start3A, %dma_start3A_86] : memref<1000x100x128xf32, #tpu.memory_space<hbm>> -> memref<4x100x128xf32, #tpu.memory_space<hbm>>
        %dma_start3A_88 = arith.constant 0 : i32
        %dma_start3A_89 = arith.constant 0 : i32
        %dma_start3A_90 = tpu.memref_slice %arg2[%mul3A_25, %dma_start3A_88, %dma_start3A_89] : memref<1000x100x128xf32, #tpu.memory_space<hbm>> -> memref<4x100x128xf32, #tpu.memory_space<hbm>>
        tpu.enqueue_dma source(%dma_start3A_90 : memref<4x100x128xf32, #tpu.memory_space<hbm>>) target(%arg4 : memref<4x100x128xf32, #tpu.memory_space<vmem>>) target_semaphore(%run_scoped3A : memref<!tpu.dma_semaphore, #tpu.memory_space<semaphore_mem>>)
        %dma_wait3A = arith.constant 0 : i32
        %dma_wait3A_91 = arith.constant 0 : i32
        %dma_wait3A_92 = tpu.memref_slice %arg2[%mul3A_25, %dma_wait3A, %dma_wait3A_91] : memref<1000x100x128xf32, #tpu.memory_space<hbm>> -> memref<4x100x128xf32, #tpu.memory_space<hbm>>
        %dma_wait3A_93 = arith.constant 0 : i32
        %dma_wait3A_94 = arith.constant 0 : i32
        %dma_wait3A_95 = tpu.memref_slice %arg2[%mul3A_25, %dma_wait3A_93, %dma_wait3A_94] : memref<1000x100x128xf32, #tpu.memory_space<hbm>> -> memref<4x100x128xf32, #tpu.memory_space<hbm>>
        tpu.wait_dma2 semaphore(%run_scoped3A : memref<!tpu.dma_semaphore, #tpu.memory_space<semaphore_mem>>) src(%dma_wait3A_95 : memref<4x100x128xf32, #tpu.memory_space<hbm>>) dst(%arg4 : memref<4x100x128xf32, #tpu.memory_space<vmem>>)
        tpu.yield
      }) : () -> ()
      "tpu.region"() ({
        %run_scoped3A = tpu.sem_alloc : memref<!tpu.dma_semaphore, #tpu.memory_space<semaphore_mem>>
        %dma_start3A = arith.constant 0 : i32
        %dma_start3A_86 = arith.constant 0 : i32
        %dma_start3A_87 = tpu.memref_slice %arg3[%mul3A_25, %dma_start3A, %dma_start3A_86] : memref<1000x100x128xf32, #tpu.memory_space<hbm>> -> memref<4x100x128xf32, #tpu.memory_space<hbm>>
        %dma_start3A_88 = arith.constant 0 : i32
        %dma_start3A_89 = arith.constant 0 : i32
        %dma_start3A_90 = tpu.memref_slice %arg3[%mul3A_25, %dma_start3A_88, %dma_start3A_89] : memref<1000x100x128xf32, #tpu.memory_space<hbm>> -> memref<4x100x128xf32, #tpu.memory_space<hbm>>
        tpu.enqueue_dma source(%arg4 : memref<4x100x128xf32, #tpu.memory_space<vmem>>) target(%dma_start3A_90 : memref<4x100x128xf32, #tpu.memory_space<hbm>>) target_semaphore(%run_scoped3A : memref<!tpu.dma_semaphore, #tpu.memory_space<semaphore_mem>>)
        %dma_wait3A = arith.constant 0 : i32
        %dma_wait3A_91 = arith.constant 0 : i32
        %dma_wait3A_92 = tpu.memref_slice %arg3[%mul3A_25, %dma_wait3A, %dma_wait3A_91] : memref<1000x100x128xf32, #tpu.memory_space<hbm>> -> memref<4x100x128xf32, #tpu.memory_space<hbm>>
        %dma_wait3A_93 = arith.constant 0 : i32
        %dma_wait3A_94 = arith.constant 0 : i32
        %dma_wait3A_95 = tpu.memref_slice %arg3[%mul3A_25, %dma_wait3A_93, %dma_wait3A_94] : memref<1000x100x128xf32, #tpu.memory_space<hbm>> -> memref<4x100x128xf32, #tpu.memory_space<hbm>>
        tpu.wait_dma2 semaphore(%run_scoped3A : memref<!tpu.dma_semaphore, #tpu.memory_space<semaphore_mem>>) src(%arg4 : memref<4x100x128xf32, #tpu.memory_space<vmem>>) dst(%dma_wait3A_95 : memref<4x100x128xf32, #tpu.memory_space<hbm>>)
        tpu.yield
      }) : () -> ()
    } else {
    }
    %mul3A_31 = arith.constant 8 : i32
    %mul3A_32 = arith.muli %add3A, %mul3A_31 : i32
    %add3A_33 = arith.constant 3 : i32
    %add3A_34 = arith.addi %mul3A_32, %add3A_33 : i32
    %mul3A_35 = arith.constant 4 : i32
    %mul3A_36 = arith.muli %add3A_34, %mul3A_35 : i32
    %lt3A_37 = arith.constant 250 : i32
    %lt3A_38 = arith.cmpi slt, %add3A_34, %lt3A_37 : i32
    %convert_element_type3A_39 = arith.extui %lt3A_38 : i1 to i32
    %cond3A_40 = arith.constant 0 : i32
    %cond3A_41 = arith.cmpi ne, %convert_element_type3A_39, %cond3A_40 : i32
    scf.if %cond3A_41 {
      "tpu.region"() ({
        %run_scoped3A = tpu.sem_alloc : memref<!tpu.dma_semaphore, #tpu.memory_space<semaphore_mem>>
        %dma_start3A = arith.constant 0 : i32
        %dma_start3A_86 = arith.constant 0 : i32
        %dma_start3A_87 = tpu.memref_slice %arg2[%mul3A_36, %dma_start3A, %dma_start3A_86] : memref<1000x100x128xf32, #tpu.memory_space<hbm>> -> memref<4x100x128xf32, #tpu.memory_space<hbm>>
        %dma_start3A_88 = arith.constant 0 : i32
        %dma_start3A_89 = arith.constant 0 : i32
        %dma_start3A_90 = tpu.memref_slice %arg2[%mul3A_36, %dma_start3A_88, %dma_start3A_89] : memref<1000x100x128xf32, #tpu.memory_space<hbm>> -> memref<4x100x128xf32, #tpu.memory_space<hbm>>
        tpu.enqueue_dma source(%dma_start3A_90 : memref<4x100x128xf32, #tpu.memory_space<hbm>>) target(%arg4 : memref<4x100x128xf32, #tpu.memory_space<vmem>>) target_semaphore(%run_scoped3A : memref<!tpu.dma_semaphore, #tpu.memory_space<semaphore_mem>>)
        %dma_wait3A = arith.constant 0 : i32
        %dma_wait3A_91 = arith.constant 0 : i32
        %dma_wait3A_92 = tpu.memref_slice %arg2[%mul3A_36, %dma_wait3A, %dma_wait3A_91] : memref<1000x100x128xf32, #tpu.memory_space<hbm>> -> memref<4x100x128xf32, #tpu.memory_space<hbm>>
        %dma_wait3A_93 = arith.constant 0 : i32
        %dma_wait3A_94 = arith.constant 0 : i32
        %dma_wait3A_95 = tpu.memref_slice %arg2[%mul3A_36, %dma_wait3A_93, %dma_wait3A_94] : memref<1000x100x128xf32, #tpu.memory_space<hbm>> -> memref<4x100x128xf32, #tpu.memory_space<hbm>>
        tpu.wait_dma2 semaphore(%run_scoped3A : memref<!tpu.dma_semaphore, #tpu.memory_space<semaphore_mem>>) src(%dma_wait3A_95 : memref<4x100x128xf32, #tpu.memory_space<hbm>>) dst(%arg4 : memref<4x100x128xf32, #tpu.memory_space<vmem>>)
        tpu.yield
      }) : () -> ()
      "tpu.region"() ({
        %run_scoped3A = tpu.sem_alloc : memref<!tpu.dma_semaphore, #tpu.memory_space<semaphore_mem>>
        %dma_start3A = arith.constant 0 : i32
        %dma_start3A_86 = arith.constant 0 : i32
        %dma_start3A_87 = tpu.memref_slice %arg3[%mul3A_36, %dma_start3A, %dma_start3A_86] : memref<1000x100x128xf32, #tpu.memory_space<hbm>> -> memref<4x100x128xf32, #tpu.memory_space<hbm>>
        %dma_start3A_88 = arith.constant 0 : i32
        %dma_start3A_89 = arith.constant 0 : i32
        %dma_start3A_90 = tpu.memref_slice %arg3[%mul3A_36, %dma_start3A_88, %dma_start3A_89] : memref<1000x100x128xf32, #tpu.memory_space<hbm>> -> memref<4x100x128xf32, #tpu.memory_space<hbm>>
        tpu.enqueue_dma source(%arg4 : memref<4x100x128xf32, #tpu.memory_space<vmem>>) target(%dma_start3A_90 : memref<4x100x128xf32, #tpu.memory_space<hbm>>) target_semaphore(%run_scoped3A : memref<!tpu.dma_semaphore, #tpu.memory_space<semaphore_mem>>)
        %dma_wait3A = arith.constant 0 : i32
        %dma_wait3A_91 = arith.constant 0 : i32
        %dma_wait3A_92 = tpu.memref_slice %arg3[%mul3A_36, %dma_wait3A, %dma_wait3A_91] : memref<1000x100x128xf32, #tpu.memory_space<hbm>> -> memref<4x100x128xf32, #tpu.memory_space<hbm>>
        %dma_wait3A_93 = arith.constant 0 : i32
        %dma_wait3A_94 = arith.constant 0 : i32
        %dma_wait3A_95 = tpu.memref_slice %arg3[%mul3A_36, %dma_wait3A_93, %dma_wait3A_94] : memref<1000x100x128xf32, #tpu.memory_space<hbm>> -> memref<4x100x128xf32, #tpu.memory_space<hbm>>
        tpu.wait_dma2 semaphore(%run_scoped3A : memref<!tpu.dma_semaphore, #tpu.memory_space<semaphore_mem>>) src(%arg4 : memref<4x100x128xf32, #tpu.memory_space<vmem>>) dst(%dma_wait3A_95 : memref<4x100x128xf32, #tpu.memory_space<hbm>>)
        tpu.yield
      }) : () -> ()
    } else {
    }
    %mul3A_42 = arith.constant 8 : i32
    %mul3A_43 = arith.muli %add3A, %mul3A_42 : i32
    %add3A_44 = arith.constant 4 : i32
    %add3A_45 = arith.addi %mul3A_43, %add3A_44 : i32
    %mul3A_46 = arith.constant 4 : i32
    %mul3A_47 = arith.muli %add3A_45, %mul3A_46 : i32
    %lt3A_48 = arith.constant 250 : i32
    %lt3A_49 = arith.cmpi slt, %add3A_45, %lt3A_48 : i32
    %convert_element_type3A_50 = arith.extui %lt3A_49 : i1 to i32
    %cond3A_51 = arith.constant 0 : i32
    %cond3A_52 = arith.cmpi ne, %convert_element_type3A_50, %cond3A_51 : i32
    scf.if %cond3A_52 {
      "tpu.region"() ({
        %run_scoped3A = tpu.sem_alloc : memref<!tpu.dma_semaphore, #tpu.memory_space<semaphore_mem>>
        %dma_start3A = arith.constant 0 : i32
        %dma_start3A_86 = arith.constant 0 : i32
        %dma_start3A_87 = tpu.memref_slice %arg2[%mul3A_47, %dma_start3A, %dma_start3A_86] : memref<1000x100x128xf32, #tpu.memory_space<hbm>> -> memref<4x100x128xf32, #tpu.memory_space<hbm>>
        %dma_start3A_88 = arith.constant 0 : i32
        %dma_start3A_89 = arith.constant 0 : i32
        %dma_start3A_90 = tpu.memref_slice %arg2[%mul3A_47, %dma_start3A_88, %dma_start3A_89] : memref<1000x100x128xf32, #tpu.memory_space<hbm>> -> memref<4x100x128xf32, #tpu.memory_space<hbm>>
        tpu.enqueue_dma source(%dma_start3A_90 : memref<4x100x128xf32, #tpu.memory_space<hbm>>) target(%arg4 : memref<4x100x128xf32, #tpu.memory_space<vmem>>) target_semaphore(%run_scoped3A : memref<!tpu.dma_semaphore, #tpu.memory_space<semaphore_mem>>)
        %dma_wait3A = arith.constant 0 : i32
        %dma_wait3A_91 = arith.constant 0 : i32
        %dma_wait3A_92 = tpu.memref_slice %arg2[%mul3A_47, %dma_wait3A, %dma_wait3A_91] : memref<1000x100x128xf32, #tpu.memory_space<hbm>> -> memref<4x100x128xf32, #tpu.memory_space<hbm>>
        %dma_wait3A_93 = arith.constant 0 : i32
        %dma_wait3A_94 = arith.constant 0 : i32
        %dma_wait3A_95 = tpu.memref_slice %arg2[%mul3A_47, %dma_wait3A_93, %dma_wait3A_94] : memref<1000x100x128xf32, #tpu.memory_space<hbm>> -> memref<4x100x128xf32, #tpu.memory_space<hbm>>
        tpu.wait_dma2 semaphore(%run_scoped3A : memref<!tpu.dma_semaphore, #tpu.memory_space<semaphore_mem>>) src(%dma_wait3A_95 : memref<4x100x128xf32, #tpu.memory_space<hbm>>) dst(%arg4 : memref<4x100x128xf32, #tpu.memory_space<vmem>>)
        tpu.yield
      }) : () -> ()
      "tpu.region"() ({
        %run_scoped3A = tpu.sem_alloc : memref<!tpu.dma_semaphore, #tpu.memory_space<semaphore_mem>>
        %dma_start3A = arith.constant 0 : i32
        %dma_start3A_86 = arith.constant 0 : i32
        %dma_start3A_87 = tpu.memref_slice %arg3[%mul3A_47, %dma_start3A, %dma_start3A_86] : memref<1000x100x128xf32, #tpu.memory_space<hbm>> -> memref<4x100x128xf32, #tpu.memory_space<hbm>>
        %dma_start3A_88 = arith.constant 0 : i32
        %dma_start3A_89 = arith.constant 0 : i32
        %dma_start3A_90 = tpu.memref_slice %arg3[%mul3A_47, %dma_start3A_88, %dma_start3A_89] : memref<1000x100x128xf32, #tpu.memory_space<hbm>> -> memref<4x100x128xf32, #tpu.memory_space<hbm>>
        tpu.enqueue_dma source(%arg4 : memref<4x100x128xf32, #tpu.memory_space<vmem>>) target(%dma_start3A_90 : memref<4x100x128xf32, #tpu.memory_space<hbm>>) target_semaphore(%run_scoped3A : memref<!tpu.dma_semaphore, #tpu.memory_space<semaphore_mem>>)
        %dma_wait3A = arith.constant 0 : i32
        %dma_wait3A_91 = arith.constant 0 : i32
        %dma_wait3A_92 = tpu.memref_slice %arg3[%mul3A_47, %dma_wait3A, %dma_wait3A_91] : memref<1000x100x128xf32, #tpu.memory_space<hbm>> -> memref<4x100x128xf32, #tpu.memory_space<hbm>>
        %dma_wait3A_93 = arith.constant 0 : i32
        %dma_wait3A_94 = arith.constant 0 : i32
        %dma_wait3A_95 = tpu.memref_slice %arg3[%mul3A_47, %dma_wait3A_93, %dma_wait3A_94] : memref<1000x100x128xf32, #tpu.memory_space<hbm>> -> memref<4x100x128xf32, #tpu.memory_space<hbm>>
        tpu.wait_dma2 semaphore(%run_scoped3A : memref<!tpu.dma_semaphore, #tpu.memory_space<semaphore_mem>>) src(%arg4 : memref<4x100x128xf32, #tpu.memory_space<vmem>>) dst(%dma_wait3A_95 : memref<4x100x128xf32, #tpu.memory_space<hbm>>)
        tpu.yield
      }) : () -> ()
    } else {
    }
    %mul3A_53 = arith.constant 8 : i32
    %mul3A_54 = arith.muli %add3A, %mul3A_53 : i32
    %add3A_55 = arith.constant 5 : i32
    %add3A_56 = arith.addi %mul3A_54, %add3A_55 : i32
    %mul3A_57 = arith.constant 4 : i32
    %mul3A_58 = arith.muli %add3A_56, %mul3A_57 : i32
    %lt3A_59 = arith.constant 250 : i32
    %lt3A_60 = arith.cmpi slt, %add3A_56, %lt3A_59 : i32
    %convert_element_type3A_61 = arith.extui %lt3A_60 : i1 to i32
    %cond3A_62 = arith.constant 0 : i32
    %cond3A_63 = arith.cmpi ne, %convert_element_type3A_61, %cond3A_62 : i32
    scf.if %cond3A_63 {
      "tpu.region"() ({
        %run_scoped3A = tpu.sem_alloc : memref<!tpu.dma_semaphore, #tpu.memory_space<semaphore_mem>>
        %dma_start3A = arith.constant 0 : i32
        %dma_start3A_86 = arith.constant 0 : i32
        %dma_start3A_87 = tpu.memref_slice %arg2[%mul3A_58, %dma_start3A, %dma_start3A_86] : memref<1000x100x128xf32, #tpu.memory_space<hbm>> -> memref<4x100x128xf32, #tpu.memory_space<hbm>>
        %dma_start3A_88 = arith.constant 0 : i32
        %dma_start3A_89 = arith.constant 0 : i32
        %dma_start3A_90 = tpu.memref_slice %arg2[%mul3A_58, %dma_start3A_88, %dma_start3A_89] : memref<1000x100x128xf32, #tpu.memory_space<hbm>> -> memref<4x100x128xf32, #tpu.memory_space<hbm>>
        tpu.enqueue_dma source(%dma_start3A_90 : memref<4x100x128xf32, #tpu.memory_space<hbm>>) target(%arg4 : memref<4x100x128xf32, #tpu.memory_space<vmem>>) target_semaphore(%run_scoped3A : memref<!tpu.dma_semaphore, #tpu.memory_space<semaphore_mem>>)
        %dma_wait3A = arith.constant 0 : i32
        %dma_wait3A_91 = arith.constant 0 : i32
        %dma_wait3A_92 = tpu.memref_slice %arg2[%mul3A_58, %dma_wait3A, %dma_wait3A_91] : memref<1000x100x128xf32, #tpu.memory_space<hbm>> -> memref<4x100x128xf32, #tpu.memory_space<hbm>>
        %dma_wait3A_93 = arith.constant 0 : i32
        %dma_wait3A_94 = arith.constant 0 : i32
        %dma_wait3A_95 = tpu.memref_slice %arg2[%mul3A_58, %dma_wait3A_93, %dma_wait3A_94] : memref<1000x100x128xf32, #tpu.memory_space<hbm>> -> memref<4x100x128xf32, #tpu.memory_space<hbm>>
        tpu.wait_dma2 semaphore(%run_scoped3A : memref<!tpu.dma_semaphore, #tpu.memory_space<semaphore_mem>>) src(%dma_wait3A_95 : memref<4x100x128xf32, #tpu.memory_space<hbm>>) dst(%arg4 : memref<4x100x128xf32, #tpu.memory_space<vmem>>)
        tpu.yield
      }) : () -> ()
      "tpu.region"() ({
        %run_scoped3A = tpu.sem_alloc : memref<!tpu.dma_semaphore, #tpu.memory_space<semaphore_mem>>
        %dma_start3A = arith.constant 0 : i32
        %dma_start3A_86 = arith.constant 0 : i32
        %dma_start3A_87 = tpu.memref_slice %arg3[%mul3A_58, %dma_start3A, %dma_start3A_86] : memref<1000x100x128xf32, #tpu.memory_space<hbm>> -> memref<4x100x128xf32, #tpu.memory_space<hbm>>
        %dma_start3A_88 = arith.constant 0 : i32
        %dma_start3A_89 = arith.constant 0 : i32
        %dma_start3A_90 = tpu.memref_slice %arg3[%mul3A_58, %dma_start3A_88, %dma_start3A_89] : memref<1000x100x128xf32, #tpu.memory_space<hbm>> -> memref<4x100x128xf32, #tpu.memory_space<hbm>>
        tpu.enqueue_dma source(%arg4 : memref<4x100x128xf32, #tpu.memory_space<vmem>>) target(%dma_start3A_90 : memref<4x100x128xf32, #tpu.memory_space<hbm>>) target_semaphore(%run_scoped3A : memref<!tpu.dma_semaphore, #tpu.memory_space<semaphore_mem>>)
        %dma_wait3A = arith.constant 0 : i32
        %dma_wait3A_91 = arith.constant 0 : i32
        %dma_wait3A_92 = tpu.memref_slice %arg3[%mul3A_58, %dma_wait3A, %dma_wait3A_91] : memref<1000x100x128xf32, #tpu.memory_space<hbm>> -> memref<4x100x128xf32, #tpu.memory_space<hbm>>
        %dma_wait3A_93 = arith.constant 0 : i32
        %dma_wait3A_94 = arith.constant 0 : i32
        %dma_wait3A_95 = tpu.memref_slice %arg3[%mul3A_58, %dma_wait3A_93, %dma_wait3A_94] : memref<1000x100x128xf32, #tpu.memory_space<hbm>> -> memref<4x100x128xf32, #tpu.memory_space<hbm>>
        tpu.wait_dma2 semaphore(%run_scoped3A : memref<!tpu.dma_semaphore, #tpu.memory_space<semaphore_mem>>) src(%arg4 : memref<4x100x128xf32, #tpu.memory_space<vmem>>) dst(%dma_wait3A_95 : memref<4x100x128xf32, #tpu.memory_space<hbm>>)
        tpu.yield
      }) : () -> ()
    } else {
    }
    %mul3A_64 = arith.constant 8 : i32
    %mul3A_65 = arith.muli %add3A, %mul3A_64 : i32
    %add3A_66 = arith.constant 6 : i32
    %add3A_67 = arith.addi %mul3A_65, %add3A_66 : i32
    %mul3A_68 = arith.constant 4 : i32
    %mul3A_69 = arith.muli %add3A_67, %mul3A_68 : i32
    %lt3A_70 = arith.constant 250 : i32
    %lt3A_71 = arith.cmpi slt, %add3A_67, %lt3A_70 : i32
    %convert_element_type3A_72 = arith.extui %lt3A_71 : i1 to i32
    %cond3A_73 = arith.constant 0 : i32
    %cond3A_74 = arith.cmpi ne, %convert_element_type3A_72, %cond3A_73 : i32
    scf.if %cond3A_74 {
      "tpu.region"() ({
        %run_scoped3A = tpu.sem_alloc : memref<!tpu.dma_semaphore, #tpu.memory_space<semaphore_mem>>
        %dma_start3A = arith.constant 0 : i32
        %dma_start3A_86 = arith.constant 0 : i32
        %dma_start3A_87 = tpu.memref_slice %arg2[%mul3A_69, %dma_start3A, %dma_start3A_86] : memref<1000x100x128xf32, #tpu.memory_space<hbm>> -> memref<4x100x128xf32, #tpu.memory_space<hbm>>
        %dma_start3A_88 = arith.constant 0 : i32
        %dma_start3A_89 = arith.constant 0 : i32
        %dma_start3A_90 = tpu.memref_slice %arg2[%mul3A_69, %dma_start3A_88, %dma_start3A_89] : memref<1000x100x128xf32, #tpu.memory_space<hbm>> -> memref<4x100x128xf32, #tpu.memory_space<hbm>>
        tpu.enqueue_dma source(%dma_start3A_90 : memref<4x100x128xf32, #tpu.memory_space<hbm>>) target(%arg4 : memref<4x100x128xf32, #tpu.memory_space<vmem>>) target_semaphore(%run_scoped3A : memref<!tpu.dma_semaphore, #tpu.memory_space<semaphore_mem>>)
        %dma_wait3A = arith.constant 0 : i32
        %dma_wait3A_91 = arith.constant 0 : i32
        %dma_wait3A_92 = tpu.memref_slice %arg2[%mul3A_69, %dma_wait3A, %dma_wait3A_91] : memref<1000x100x128xf32, #tpu.memory_space<hbm>> -> memref<4x100x128xf32, #tpu.memory_space<hbm>>
        %dma_wait3A_93 = arith.constant 0 : i32
        %dma_wait3A_94 = arith.constant 0 : i32
        %dma_wait3A_95 = tpu.memref_slice %arg2[%mul3A_69, %dma_wait3A_93, %dma_wait3A_94] : memref<1000x100x128xf32, #tpu.memory_space<hbm>> -> memref<4x100x128xf32, #tpu.memory_space<hbm>>
        tpu.wait_dma2 semaphore(%run_scoped3A : memref<!tpu.dma_semaphore, #tpu.memory_space<semaphore_mem>>) src(%dma_wait3A_95 : memref<4x100x128xf32, #tpu.memory_space<hbm>>) dst(%arg4 : memref<4x100x128xf32, #tpu.memory_space<vmem>>)
        tpu.yield
      }) : () -> ()
      "tpu.region"() ({
        %run_scoped3A = tpu.sem_alloc : memref<!tpu.dma_semaphore, #tpu.memory_space<semaphore_mem>>
        %dma_start3A = arith.constant 0 : i32
        %dma_start3A_86 = arith.constant 0 : i32
        %dma_start3A_87 = tpu.memref_slice %arg3[%mul3A_69, %dma_start3A, %dma_start3A_86] : memref<1000x100x128xf32, #tpu.memory_space<hbm>> -> memref<4x100x128xf32, #tpu.memory_space<hbm>>
        %dma_start3A_88 = arith.constant 0 : i32
        %dma_start3A_89 = arith.constant 0 : i32
        %dma_start3A_90 = tpu.memref_slice %arg3[%mul3A_69, %dma_start3A_88, %dma_start3A_89] : memref<1000x100x128xf32, #tpu.memory_space<hbm>> -> memref<4x100x128xf32, #tpu.memory_space<hbm>>
        tpu.enqueue_dma source(%arg4 : memref<4x100x128xf32, #tpu.memory_space<vmem>>) target(%dma_start3A_90 : memref<4x100x128xf32, #tpu.memory_space<hbm>>) target_semaphore(%run_scoped3A : memref<!tpu.dma_semaphore, #tpu.memory_space<semaphore_mem>>)
        %dma_wait3A = arith.constant 0 : i32
        %dma_wait3A_91 = arith.constant 0 : i32
        %dma_wait3A_92 = tpu.memref_slice %arg3[%mul3A_69, %dma_wait3A, %dma_wait3A_91] : memref<1000x100x128xf32, #tpu.memory_space<hbm>> -> memref<4x100x128xf32, #tpu.memory_space<hbm>>
        %dma_wait3A_93 = arith.constant 0 : i32
        %dma_wait3A_94 = arith.constant 0 : i32
        %dma_wait3A_95 = tpu.memref_slice %arg3[%mul3A_69, %dma_wait3A_93, %dma_wait3A_94] : memref<1000x100x128xf32, #tpu.memory_space<hbm>> -> memref<4x100x128xf32, #tpu.memory_space<hbm>>
        tpu.wait_dma2 semaphore(%run_scoped3A : memref<!tpu.dma_semaphore, #tpu.memory_space<semaphore_mem>>) src(%arg4 : memref<4x100x128xf32, #tpu.memory_space<vmem>>) dst(%dma_wait3A_95 : memref<4x100x128xf32, #tpu.memory_space<hbm>>)
        tpu.yield
      }) : () -> ()
    } else {
    }
    %mul3A_75 = arith.constant 8 : i32
    %mul3A_76 = arith.muli %add3A, %mul3A_75 : i32
    %add3A_77 = arith.constant 7 : i32
    %add3A_78 = arith.addi %mul3A_76, %add3A_77 : i32
    %mul3A_79 = arith.constant 4 : i32
    %mul3A_80 = arith.muli %add3A_78, %mul3A_79 : i32
    %lt3A_81 = arith.constant 250 : i32
    %lt3A_82 = arith.cmpi slt, %add3A_78, %lt3A_81 : i32
    %convert_element_type3A_83 = arith.extui %lt3A_82 : i1 to i32
    %cond3A_84 = arith.constant 0 : i32
    %cond3A_85 = arith.cmpi ne, %convert_element_type3A_83, %cond3A_84 : i32
    scf.if %cond3A_85 {
      "tpu.region"() ({
        %run_scoped3A = tpu.sem_alloc : memref<!tpu.dma_semaphore, #tpu.memory_space<semaphore_mem>>
        %dma_start3A = arith.constant 0 : i32
        %dma_start3A_86 = arith.constant 0 : i32
        %dma_start3A_87 = tpu.memref_slice %arg2[%mul3A_80, %dma_start3A, %dma_start3A_86] : memref<1000x100x128xf32, #tpu.memory_space<hbm>> -> memref<4x100x128xf32, #tpu.memory_space<hbm>>
        %dma_start3A_88 = arith.constant 0 : i32
        %dma_start3A_89 = arith.constant 0 : i32
        %dma_start3A_90 = tpu.memref_slice %arg2[%mul3A_80, %dma_start3A_88, %dma_start3A_89] : memref<1000x100x128xf32, #tpu.memory_space<hbm>> -> memref<4x100x128xf32, #tpu.memory_space<hbm>>
        tpu.enqueue_dma source(%dma_start3A_90 : memref<4x100x128xf32, #tpu.memory_space<hbm>>) target(%arg4 : memref<4x100x128xf32, #tpu.memory_space<vmem>>) target_semaphore(%run_scoped3A : memref<!tpu.dma_semaphore, #tpu.memory_space<semaphore_mem>>)
        %dma_wait3A = arith.constant 0 : i32
        %dma_wait3A_91 = arith.constant 0 : i32
        %dma_wait3A_92 = tpu.memref_slice %arg2[%mul3A_80, %dma_wait3A, %dma_wait3A_91] : memref<1000x100x128xf32, #tpu.memory_space<hbm>> -> memref<4x100x128xf32, #tpu.memory_space<hbm>>
        %dma_wait3A_93 = arith.constant 0 : i32
        %dma_wait3A_94 = arith.constant 0 : i32
        %dma_wait3A_95 = tpu.memref_slice %arg2[%mul3A_80, %dma_wait3A_93, %dma_wait3A_94] : memref<1000x100x128xf32, #tpu.memory_space<hbm>> -> memref<4x100x128xf32, #tpu.memory_space<hbm>>
        tpu.wait_dma2 semaphore(%run_scoped3A : memref<!tpu.dma_semaphore, #tpu.memory_space<semaphore_mem>>) src(%dma_wait3A_95 : memref<4x100x128xf32, #tpu.memory_space<hbm>>) dst(%arg4 : memref<4x100x128xf32, #tpu.memory_space<vmem>>)
        tpu.yield
      }) : () -> ()
      "tpu.region"() ({
        %run_scoped3A = tpu.sem_alloc : memref<!tpu.dma_semaphore, #tpu.memory_space<semaphore_mem>>
        %dma_start3A = arith.constant 0 : i32
        %dma_start3A_86 = arith.constant 0 : i32
        %dma_start3A_87 = tpu.memref_slice %arg3[%mul3A_80, %dma_start3A, %dma_start3A_86] : memref<1000x100x128xf32, #tpu.memory_space<hbm>> -> memref<4x100x128xf32, #tpu.memory_space<hbm>>
        %dma_start3A_88 = arith.constant 0 : i32
        %dma_start3A_89 = arith.constant 0 : i32
        %dma_start3A_90 = tpu.memref_slice %arg3[%mul3A_80, %dma_start3A_88, %dma_start3A_89] : memref<1000x100x128xf32, #tpu.memory_space<hbm>> -> memref<4x100x128xf32, #tpu.memory_space<hbm>>
        tpu.enqueue_dma source(%arg4 : memref<4x100x128xf32, #tpu.memory_space<vmem>>) target(%dma_start3A_90 : memref<4x100x128xf32, #tpu.memory_space<hbm>>) target_semaphore(%run_scoped3A : memref<!tpu.dma_semaphore, #tpu.memory_space<semaphore_mem>>)
        %dma_wait3A = arith.constant 0 : i32
        %dma_wait3A_91 = arith.constant 0 : i32
        %dma_wait3A_92 = tpu.memref_slice %arg3[%mul3A_80, %dma_wait3A, %dma_wait3A_91] : memref<1000x100x128xf32, #tpu.memory_space<hbm>> -> memref<4x100x128xf32, #tpu.memory_space<hbm>>
        %dma_wait3A_93 = arith.constant 0 : i32
        %dma_wait3A_94 = arith.constant 0 : i32
        %dma_wait3A_95 = tpu.memref_slice %arg3[%mul3A_80, %dma_wait3A_93, %dma_wait3A_94] : memref<1000x100x128xf32, #tpu.memory_space<hbm>> -> memref<4x100x128xf32, #tpu.memory_space<hbm>>
        tpu.wait_dma2 semaphore(%run_scoped3A : memref<!tpu.dma_semaphore, #tpu.memory_space<semaphore_mem>>) src(%arg4 : memref<4x100x128xf32, #tpu.memory_space<vmem>>) dst(%dma_wait3A_95 : memref<4x100x128xf32, #tpu.memory_space<hbm>>)
        tpu.yield
      }) : () -> ()
    } else {
    }
    return
  }
}

module attributes {stable_mosaic.version = 14 : i64} {
  func.func @_counts_body(%arg0: i32, %arg1: memref<1xi32, #tpu.memory_space<smem>>, %arg2: memref<1000x100xi32, #tpu.memory_space<vmem>>, %arg3: memref<1000x100xi32, #tpu.memory_space<vmem>>) attributes {dimension_semantics = [#tpu.dimension_semantics<arbitrary>], iteration_bounds = array<i64: 1>, scalar_prefetch = 1 : i64, scratch_operands = 0 : i64, tpu.core_type = #tpu.core_type<tc>, window_params = [{pipeline_mode = #tpu.pipeline_mode<synchronous>, transform_indices = @transform_0, window_bounds = array<i64: 1000, 100>}, {pipeline_mode = #tpu.pipeline_mode<synchronous>, transform_indices = @transform_1, window_bounds = array<i64: 1000, 100>}]} {
    %get3A = arith.constant 0 : index
    %get3A_0 = arith.constant 0 : index
    %get3A_1 = vector.load %arg2[%get3A, %get3A_0] : memref<1000x100xi32, #tpu.memory_space<vmem>>, vector<1000x100xi32>
    %swap3A = arith.constant 0 : index
    %swap3A_2 = arith.constant 0 : index
    %swap3A_3 = vector.load %arg3[%swap3A, %swap3A_2] : memref<1000x100xi32, #tpu.memory_space<vmem>>, vector<1000x100xi32>
    tpu.vector_store %arg3[%swap3A, %swap3A_2], %get3A_1 {strides = array<i32>} : memref<1000x100xi32, #tpu.memory_space<vmem>>, vector<1000x100xi32>,
    %get3A_4 = arith.constant 0 : index
    %get3A_5 = memref.load %arg1[%get3A_4] : memref<1xi32, #tpu.memory_space<smem>>
    %broadcast_in_dim3A = arith.constant 1 : i32
    %broadcast_in_dim3A_6 = vector.broadcast %broadcast_in_dim3A : i32 to vector<1x100xi32>
    %swap3A_7 = arith.index_cast %get3A_5 : i32 to index
    %swap3A_8 = arith.constant 0 : index
    %swap3A_9 = vector.load %arg3[%swap3A_7, %swap3A_8] : memref<1000x100xi32, #tpu.memory_space<vmem>>, vector<1x100xi32>
    tpu.vector_store %arg3[%swap3A_7, %swap3A_8], %broadcast_in_dim3A_6 {strides = array<i32>} : memref<1000x100xi32, #tpu.memory_space<vmem>>, vector<1x100xi32>,
    return
  }
  func.func @transform_0(%arg0: i32, %arg1: memref<1xi32, #tpu.memory_space<smem>>) -> (i32, i32) {
    %c0_i32 = arith.constant 0 : i32
    %c0_i32_0 = arith.constant 0 : i32
    %c0_i32_1 = arith.constant 0 : i32
    return %c0_i32, %c0_i32_0 : i32, i32
  }
  func.func @transform_1(%arg0: i32, %arg1: memref<1xi32, #tpu.memory_space<smem>>) -> (i32, i32) {
    %c0_i32 = arith.constant 0 : i32
    %c0_i32_0 = arith.constant 0 : i32
    %c0_i32_1 = arith.constant 0 : i32
    return %c0_i32, %c0_i32_0 : i32, i32
  }
}

</mosaic_0001>

<sc_bundles>
// kernel: kernel.4.cloned.1.call-start
scs
__scs_entry_jumppad:
0x0: {  	(pc) =	sbr.rel $0x88, $3  }
0x1: {  	(tag) =	ssettag $0x0;
	lr =	simm.s32 $0x1  }
0x2: {  	[smem:$0x3F9D] =	sst lr;
	_ =	strace $0xD0000000  }
0x3: {  	_ = 	snop  }
0x4: {  	_ = 	snop  }
0x5: {  	_ = 	snop  }
0x6: {  	_ = 	snop  }
0x7: {  	_ = 	snop  }
__scs_overlays_trampoline_lowered:
0x8: {  	[smem:$0x3FAC] =	sst s0  }
0x9: {  	[smem:$0x3FAD] =	sst s1  }
0xa: {  	[smem:$0x3FAE] =	sst s2  }
0xb: {  	[smem:$0x3FAF] =	sst s3  }
0xc: {  	[smem:$0x3FB0] =	sst s4  }
0xd: {  	[smem:$0x3FB1] =	sst s5  }
0xe: {  	[smem:$0x3FB2] =	sst s6  }
0xf: {  	[smem:$0x3FB3] =	sst s7  }
0x10: {  	[smem:$0x3FB4] =	sst s8  }
0x11: {  	[smem:$0x3FB5] =	sst s9;
	s0 =	simm.s32 @!p0 $0x0  }
0x12: {  	s1 =	sld [smem:$0x3F9B];
	s0 =	simm.s32 @p0 $0x1  }
0x13: {  	[smem:$0x3FB6] =	sst s0;
	s0 =	simm.s32 @!p1 $0x0  }
0x14: {  	s2 =	sld [smem:$0x3F9A];
	s0 =	simm.s32 @p1 $0x1  }
0x15: {  	[smem:$0x3FB7] =	sst s0;
	s0 =	simm.s32 @!p2 $0x0  }
0x16: {  	s3 =	sld [smem:$0x3FDB];
	s0 =	simm.s32 @p2 $0x1  }
0x17: {  	s4 =	simm.s32 $0x1BF5;
	[smem:$0x3FB9] =	sst s0  }
0x18: {  	s0 =	sld [smem:$0x3F9C];
	_ =	swait.ge [sflag:s4], $0x0  }
0x19: {  	s7 =	sld [smem:$0x3F9D]  }
0x1a: {  	s8 =	sadd.s32 $0xFFFFE003, lr  }
0x1b: {  	s9 =	sadd.s32 $0xFFFFFEF7, lr;
	s5 =	simm.s32 $0xFFFFFFFF;
	p2 =	slt.u32 s8, $0xFFFFF086  }
0x1c: {  	p1 =	slt.u32 s9, $0xF7A;
	s5 =	simm.s32 @!p2 $0x0  }
0x1d: {  	s5 =	simm.s32 @p1 $0x1;
	p0 =	seq.s32 s7, s2  }
0x1e: {  	s7 =	smul.u32 @!p0 $0xF7A, s2;
	p2 =	seq.s32 @!p0 s5, $0x0  }
0x1f: {  	s9 =	smul.u32 $0xF7A, s1;
	s8 =	simm.s32 @!p0 $0x1BF5;
	p2 =	por !p2, p0  }
0x20: {  	[sflag:s8] =	ssyncset.s32 @!p0 $0xFFFFF086;
	s6 =	sadd.s32 @!p0 s3, s7;
	s7 =	simm.s32 @!p0 $0x108  }
0x21: {  	s3 =	sadd.s32 s3, s9;
	s6 =	sadd.s32 @!p0 $0x88, s6;
	s7 =	simm.s32 @p2 $0x1082  }
0x22: {  	[simem:s7], [sflag:s8] =	dma.local @!p0 [hbm:s6], $0xF7A  }
0x23: {  	s9 =	sor.u32 $0xD0000000, s2;
	s6 =	simm.s32 $0x108;
	_ =	swait.ge @!p0 [sflag:s8], $0x0  }
0x24: {  	s3 =	sadd.s32 $0x88, s3;
	s6 =	simm.s32 @!p1 $0x1082;
	[sflag:s4] =	ssyncset.s32 $0xFFFFF086  }
0x25: {  	[simem:s6], [sflag:s4] =	dma.local [hbm:s3], $0xF7A  }
0x26: {  	[smem:$0x3F9D] =	sst s1;
	(tag) =	ssettag s2;
	_ =	strace s9  }
0x27: {  	s1 =	sld [smem:$0x3FAD]  }
0x28: {  	s2 =	sld [smem:$0x3FAE]  }
0x29: {  	s4 =	sld [smem:$0x3FB0]  }
0x2a: {  	p0 =	seq.s32 s5, $0x0;
	s5 =	sld [smem:$0x3FB1]  }
0x2b: {  	s6 =	sld [smem:$0x3FB2]  }
0x2c: {  	s7 =	sld [smem:$0x3FB3]  }
0x2d: {  	s3 =	simm.s32 $0x108;
	s8 =	sld [smem:$0x3FB4]  }
0x2e: {  	s3 =	simm.s32 @!p0 $0x1082;
	s9 =	sld [smem:$0x3FB5]  }
0x2f: {  	lr =	sadd.s32 s0, s3;
	s0 =	sld [smem:$0x3FAC]  }
0x30: {  	s3 =	sld [smem:$0x3FAF]  }
0x31: {  	[smem:$0x3FB8] =	sst s10  }
0x32: {  	s10 =	sld [smem:$0x3FB6];
	_ =	sdelay $0x3  }
0x33: {  	p0 =	seq.s32 s10, $0x1;
	s10 =	sld [smem:$0x3FB8];
	_ =	sdelay $0x3  }
0x34: {  	[smem:$0x3FB8] =	sst s10  }
0x35: {  	s10 =	sld [smem:$0x3FB7];
	_ =	sdelay $0x3  }
0x36: {  	p1 =	seq.s32 s10, $0x1;
	s10 =	sld [smem:$0x3FB8];
	_ =	sdelay $0x3  }
0x37: {  	[smem:$0x3FB8] =	sst s10  }
0x38: {  	s10 =	sld [smem:$0x3FB9]  }
0x39: {  	_ = 	snop;
	(pc) =	sbr.ind lr, $3  }
0x3a: {  	_ = 	snop  }
0x3b: {  	_ = 	snop  }
0x3c: {  	p2 =	seq.s32 s10, $0x1;
	s10 =	sld [smem:$0x3FB8]  }
0x3d: {  	_ =	shalt  }
0x3e: {  	_ =	shalt  }
0x3f: {  	_ =	shalt  }
0x40: {  	_ =	shalt  }
0x41: {  	_ =	shalt  }
0x42: {  	_ =	shalt  }
0x43: {  	_ =	shalt  }
0x44: {  	_ =	shalt  }
0x45: {  	_ =	shalt  }
0x46: {  	_ =	shalt  }
0x47: {  	_ =	shalt  }
0x48: {  	_ =	shalt  }
0x49: {  	_ =	shalt  }
0x4a: {  	_ =	shalt  }
0x4b: {  	_ =	shalt  }
0x4c: {  	_ =	shalt  }
0x4d: {  	_ =	shalt  }
0x4e: {  	_ =	shalt  }
0x4f: {  	_ =	shalt  }
0x50: {  	_ =	shalt  }
0x51: {  	_ =	shalt  }
0x52: {  	_ =	shalt  }
0x53: {  	_ =	shalt  }
0x54: {  	_ =	shalt  }
0x55: {  	_ =	shalt  }
0x56: {  	_ =	shalt  }
0x57: {  	_ =	shalt  }
0x58: {  	_ =	shalt  }
0x59: {  	_ =	shalt  }
0x5a: {  	_ =	shalt  }
0x5b: {  	_ =	shalt  }
0x5c: {  	_ =	shalt  }
0x5d: {  	_ =	shalt  }
0x5e: {  	_ =	shalt  }
0x5f: {  	_ =	shalt  }
0x60: {  	_ =	shalt  }
0x61: {  	_ =	shalt  }
0x62: {  	_ =	shalt  }
0x63: {  	_ =	shalt  }
0x64: {  	_ =	shalt  }
0x65: {  	_ =	shalt  }
0x66: {  	_ =	shalt  }
0x67: {  	_ =	shalt  }
0x68: {  	_ =	shalt  }
0x69: {  	_ =	shalt  }
0x6a: {  	_ =	shalt  }
0x6b: {  	_ =	shalt  }
0x6c: {  	_ =	shalt  }
0x6d: {  	_ =	shalt  }
0x6e: {  	_ =	shalt  }
0x6f: {  	_ =	shalt  }
0x70: {  	_ =	shalt  }
0x71: {  	_ =	shalt  }
0x72: {  	_ =	shalt  }
0x73: {  	_ =	shalt  }
0x74: {  	_ =	shalt  }
0x75: {  	_ =	shalt  }
0x76: {  	_ =	shalt  }
0x77: {  	_ =	shalt  }
0x78: {  	_ =	shalt  }
0x79: {  	_ =	shalt  }
0x7a: {  	_ =	shalt  }
0x7b: {  	_ =	shalt  }
0x7c: {  	_ =	shalt  }
0x7d: {  	_ =	shalt  }
0x7e: {  	_ =	shalt  }
0x7f: {  	_ =	shalt  }
0x80: {  	_ =	shalt  }
0x81: {  	_ =	shalt  }
0x82: {  	_ =	shalt  }
0x83: {  	_ =	shalt  }
0x84: {  	_ =	shalt  }
0x85: {  	_ =	shalt  }
0x86: {  	_ =	shalt  }
0x87: {  	_ =	shalt  }
.Lfunc_end0:
.L_simem_size_0:
called_computation_lowered:
.L_overlay_start_0:
0x88: {  	s2 =	sld [smem:$0x3FD9]  }
0x89: {  	s3 =	sld [smem:$0x3FFE];
	_ =	sdelay $0x1  }
0x8a: {  	s1 =	srdreg.scid  }
0x8b: {  	s0 =	sand.u32 $0x1, s1  }
0x8c: {  	s16 =	sshll.u32 s0, $0xA;
	s2 =	sadd.s32 s3, s2  }
0x8d: {  	s2 =	sadd.s32 s2, s16  }
0x8e: {  	[smem:$0x3FC4] =	sst s2  }
0x8f: {  	_ = 	snop  }
0x90: {  	(tm) =	ssettm $0x1  }
0x91: {  	s17 =	sld [smem:$0x3FFB];
	_ =	sdelay $0x3  }
0x92: {  	_ =	strace s17  }
0x93: {  	s2 =	sld [smem:$0x3FFC];
	_ =	sdelay $0x3  }
0x94: {  	_ =	strace s2  }
0x95: {  	s2 =	sld [smem:$0x3FFD];
	_ =	sdelay $0x3  }
0x96: {  	_ =	strace s2  }
0x97: {  	_ =	strace $0x8FFFFFFF  }
0x98: {  	s18 =	sld [smem:$0x3FDB];
	_ =	sdelay $0x1  }
0x99: {  	s19 =	simm.s32 $_scs_section_size  }
0x9a: {  	s4 =	simm.s32 $_size__tile_overlayer_lowered;
	s5 =	simm.s32 $_tile_overlayer_lowered  }
0x9b: {  	s22 =	simm.s32 $0x1BFF;
	s21 =	sshll.u32 s5, $0x1;
	s2 =	sadd.s32 s19, s18  }
0x9c: {  	s6 =	simm.s32 $0x0;
	s20 =	sshll.u32 s4, $0x1;
	s4 =	sadd.s32 s21, s2  }
0x9d: {  	[timem:s6], [sflag:s22] =	dma.local [hbm:s4], s20  }
0x9e: {  	_ =	swait.ge [sflag:s22], s20  }
0x9f: {  	s3 =	ssub.s32 $0x0, s20;
	[sflag:s22] =	ssyncset.done $0x0  }
0xa0: {  	[sflag:s22] =	ssyncadd.s32 s3;
	_ =	sdelay $0x1  }
0xa1: {  	s23 =	simm.s32 $0x1B8B  }
0xa2: {  	_ =	swait.ge [sflag:s23], $0x1  }
0xa3: {  	[sflag:s23] =	ssyncset.done $0x0  }
0xa4: {  	s25 =	simm.s32 $0x1B8E;
	s24 =	sld [smem:$0x3FFE];
	[sflag:s23] =	ssyncadd.s32 $0xFFFFFFFF  }
0xa5: {  	s26 =	simm.s32 $execute0_lowered;
	[smem:$0x3FD2] =	sst s25  }
0xa6: {  	s4 =	sshll.u32 s26, $0x1;
	_ =	strace $0x80000046;
	[dreg:$0x1] =	wrdreg $0xFFFFFFFF  }
0xa7: {  	s28 =	simm.s32 $_size_execute0_lowered;
	s2 =	sadd.s32 s2, s4;
	[dreg:$0x0] =	wrdreg $0x0  }
0xa8: {  	s4 =	sshll.u32 s28, $0x1;
	[dreg:$0x2] =	wrdreg s2  }
0xa9: {  	[dreg:$0x3] =	wrdreg s4  }
0xaa: {  	[dreg:$0x4] =	wrdreg $0xC0  }
0xab: {  	_ =	task [dreg:s6], $0x5FFFF  }
0xac: {  	[dreg:$0x1] =	wrdreg $0xFFFFFFFF  }
0xad: {  	[dreg:$0x0] =	wrdreg $0x60  }
0xae: {  	[dreg:$0x2] =	wrdreg s24  }
0xaf: {  	[dreg:$0x3] =	wrdreg $0x9  }
0xb0: {  	_ =	task.clear_ibuf [dreg:s6], $0x4FFFF;
	_ =	strace $0x90000046  }
0xb1: {  	s29 =	simm.s32 $0x9;
	_ =	strace $0x80000048  }
0xb2: {  	_ =	swait.ge [sflag:s29], $0x1  }
0xb3: {  	[sflag:s29] =	ssyncadd.s32 $0xFFFFFFFF  }
0xb4: {  	_ =	strace $0x90000048  }
0xb5: {  	_ =	sfence  }
0xb6: {  	s30 =	sld [smem:$0x0];
	_ =	sdelay $0x2  }
0xb7: {  	s31 =	sshll.u32 s1, $0xD;
	s1 =	sshrl.u32 s1, $0x2  }
0xb8: {  	s3 =	sand.u32 $0x4000, s31;
	s1 =	sadd.s32 s1, s30  }
0xb9: {  	s0 =	sor.u32 s3, s0;
	s1 =	sshll.u32 s1, $0x11  }
0xba: {  	s0 =	sor.u32 s1, s0  }
0xbb: {  	s0 =	sadd.s32 $0x8F2B, s0  }
0xbc: {  	[sflag:s0] =	ssyncadd.remote.s32 $0x1  }
0xbd: {  	_ =	sfence.sel $0xFFFF  }
0xbe: {  	[dreg:$0x0] =	wrdreg $0xFFFFFFFF;
	(pc) =	sbr.abs _section_cstart, $3  }
0xbf: {  	[dreg:$0x1] =	wrdreg $0xFFFFFFFF  }
0xc0: {  	_ =	task.clear_ibuf [dreg:s6], $0x2FFFF;
	_ =	strace $0x9FFFFFFF  }
0xc1: {  	(tm) =	ssettm $0x7FFFFFFF  }
tec
execute0_lowered:
.L_overlay_start_1:
0x0: {  	(tag) =	ssettag $0x1  }
0x1: {  	s0 =	srdreg.scid;
	s1 =	stileid.u32  }
0x2: {  	s9 =	sand.u32 $0x1, s0;
	s22 =	sshll.u32 s1, $0x1  }
0x3: {  	s1 =	sor.u32 s9, s22  }
0x4: {  	s3 =	rddreg [dreg:$0x0];
	s8 =	smul.u32 $0xD000, s1  }
0x5: {  	s2 =	simm.s32 $0x0;
	s0 =	sadd.s32 $0x600, s3  }
0x6: {  	[smem:$0x7FF] =	sst s2;
	s6 =	sadd.s32 s0, s8  }
0x7: {  	_ =	strace $0x80000047;
	s4 =	sadd.s32 $0x680, s6;
	[dreg:$0x5] =	wrdreg s6  }
0x8: {  	[tilespmem:s2], [sflag:$0x1] =	stream.linear.gather [hbm4b:s6+s2], $0x3200, $0x38;
	[tilespmem:$0xD000] =	vst v63  }
0x9: {  	s23 =	sadd.s32 $0xD00, s6;
	[dreg:$0x2] =	wrdreg s4  }
0xa: {  	s24 =	sadd.s32 $0x1380, s6;
	[dreg:$0x3] =	wrdreg s23  }
0xb: {  	[dreg:$0x4] =	wrdreg s24  }
0xc: {  	s4 =	simm.s32 $0x3400;
	s5 =	rddreg [dreg:$0x2]  }
0xd: {  	[tilespmem:s4], [sflag:$0x1] =	stream.linear.gather [hbm4b:s5+s2], $0x3200, $0x38;
	[tilespmem:$0xD000] =	vst v63  }
0xe: {  	s7 =	simm.s32 $0x1;
	s25 =	rddreg [dreg:$0x3];
	s5 =	simm.s32 $0x6800  }
0xf: {  	[tilespmem:s5], [sflag:$0x1] =	stream.linear.gather [hbm4b:s25+s2], $0x3200, $0x38;
	[tilespmem:$0xD000] =	vst v63  }
0x10: {  	s3 =	sadd.s32 $0x196A00, s3;
	s6 =	simm.s32 $0x9C00;
	s10 =	rddreg [dreg:$0x4]  }
0x11: {  	[tilespmem:s6], [sflag:$0x1] =	stream.linear.gather [hbm4b:s10+s2], $0x3200, $0x38;
	[tilespmem:$0xD000] =	vst v63  }
0x12: {  	s11 =	sadd.s32 s3, s8;
	_ =	swait.ge [sflag:s7], $0xC800  }
0x13: {  	s26 =	sadd.s32 $0x680, s11;
	[sflag:s7] =	ssyncset.done $0x0  }
0x14: {  	s12 =	sadd.s32 $0xD00, s11;
	[dreg:$0x7] =	wrdreg s26;
	[sflag:s7] =	ssyncadd.s32 $0xFFFF3800  }
0x15: {  	[hbm4b:s11+s2] =	stream.linear.scatter [tilespmem:s2], [sflag:$0x1], $0x3200, $0x38;
	[tilespmem:$0xD000] =	vst v63  }
0x16: {  	s13 =	smul.u32 $0x68000, s1;
	[dreg:$0x8] =	wrdreg s12  }
0x17: {  	[hbm4b:s26+s2] =	stream.linear.scatter [tilespmem:s4], [sflag:$0x1], $0x3200, $0x38;
	[tilespmem:$0xD000] =	vst v63  }
0x18: {  	s10 =	sshrl.u32 s13, $0x3;
	[dreg:$0x6] =	wrdreg s11;
	s11 =	sadd.s32 $0x1380, s11  }
0x19: {  	[hbm4b:s12+s2] =	stream.linear.scatter [tilespmem:s5], [sflag:$0x1], $0x3200, $0x38;
	[tilespmem:$0xD000] =	vst v63  }
0x1a: {  	s10 =	sadd.s32 $0x1A00, s10;
	[dreg:$0x9] =	wrdreg s11  }
0x1b: {  	[hbm4b:s11+s2] =	stream.linear.scatter [tilespmem:s6], [sflag:$0x1], $0x3200, $0x38;
	[tilespmem:$0xD000] =	vst v63  }
0x1c: {  	s14 =	sadd.s32 s0, s10;
	_ =	swait.ge [sflag:s7], $0xC800  }
0x1d: {  	s12 =	sadd.s32 $0x680, s14;
	[sflag:s7] =	ssyncset.done $0x0  }
0x1e: {  	s15 =	sadd.s32 $0xD00, s14;
	[dreg:$0xb] =	wrdreg s12;
	[sflag:s7] =	ssyncadd.s32 $0xFFFF3800  }
0x1f: {  	[tilespmem:s2], [sflag:$0x1] =	stream.linear.gather [hbm4b:s14+s2], $0x3200, $0x38;
	[tilespmem:$0xD000] =	vst v63  }
0x20: {  	[dreg:$0xc] =	wrdreg s15  }
0x21: {  	[tilespmem:s4], [sflag:$0x1] =	stream.linear.gather [hbm4b:s12+s2], $0x3200, $0x38;
	[tilespmem:$0xD000] =	vst v63  }
0x22: {  	s11 =	sadd.s32 $0x1380, s14;
	[dreg:$0xa] =	wrdreg s14  }
0x23: {  	[tilespmem:s5], [sflag:$0x1] =	stream.linear.gather [hbm4b:s15+s2], $0x3200, $0x38;
	[tilespmem:$0xD000] =	vst v63  }
0x24: {  	[dreg:$0xd] =	wrdreg s11  }
0x25: {  	[tilespmem:s6], [sflag:$0x1] =	stream.linear.gather [hbm4b:s11+s2], $0x3200, $0x38;
	[tilespmem:$0xD000] =	vst v63  }
0x26: {  	s10 =	sadd.s32 s3, s10;
	_ =	swait.ge [sflag:s7], $0xC800  }
0x27: {  	s16 =	sadd.s32 $0x680, s10;
	[sflag:s7] =	ssyncset.done $0x0  }
0x28: {  	s17 =	sadd.s32 $0xD00, s10;
	[dreg:$0xf] =	wrdreg s16;
	[sflag:s7] =	ssyncadd.s32 $0xFFFF3800  }
0x29: {  	[hbm4b:s10+s2] =	stream.linear.scatter [tilespmem:s2], [sflag:$0x1], $0x3200, $0x38;
	[tilespmem:$0xD000] =	vst v63  }
0x2a: {  	[dreg:$0x10] =	wrdreg s17  }
0x2b: {  	[hbm4b:s16+s2] =	stream.linear.scatter [tilespmem:s4], [sflag:$0x1], $0x3200, $0x38;
	[tilespmem:$0xD000] =	vst v63  }
0x2c: {  	[dreg:$0xe] =	wrdreg s10;
	s10 =	sadd.s32 $0x1380, s10  }
0x2d: {  	[hbm4b:s17+s2] =	stream.linear.scatter [tilespmem:s5], [sflag:$0x1], $0x3200, $0x38;
	[tilespmem:$0xD000] =	vst v63  }
0x2e: {  	[dreg:$0x11] =	wrdreg s10  }
0x2f: {  	[hbm4b:s10+s2] =	stream.linear.scatter [tilespmem:s6], [sflag:$0x1], $0x3200, $0x38;
	[tilespmem:$0xD000] =	vst v63  }
0x30: {  	_ =	swait.ge [sflag:s7], $0xC800  }
0x31: {  	p0 =	seq.s32 s1, $0x1F;
	s8 =	sadd.s32 $0x3400, s8;
	[sflag:s7] =	ssyncset.done $0x0  }
0x32: {  	s21 =	simm.s32 @!p0 $0x0;
	s10 =	sadd.s32 s0, s8;
	[sflag:s7] =	ssyncadd.s32 $0xFFFF3800  }
0x33: {  	[tilespmem:s21], [sflag:$0x1] =	stream.linear.gather @!p0 [hbm4b:s10+s21], $0x3200, $0x38;
	[tilespmem:$0xD000] =	vst v63  }
0x34: {  	s12 =	simm.s32 @!p0 $0x3400;
	s11 =	sadd.s32 @!p0 $0x680, s10;
	[dreg:$0x12] =	wrdreg s10  }
0x35: {  	[tilespmem:s12], [sflag:$0x1] =	stream.linear.gather @!p0 [hbm4b:s11+s21], $0x3200, $0x38;
	[tilespmem:$0xD000] =	vst v63  }
0x36: {  	[dreg:$0x13] =	wrdreg s11;
	s11 =	sadd.s32 @!p0 $0xD00, s10  }
0x37: {  	s13 =	simm.s32 @!p0 $0x6800;
	s10 =	sadd.s32 @!p0 $0x1380, s10;
	[dreg:$0x14] =	wrdreg s11  }
0x38: {  	[tilespmem:s13], [sflag:$0x1] =	stream.linear.gather @!p0 [hbm4b:s11+s21], $0x3200, $0x38;
	[tilespmem:$0xD000] =	vst v63  }
0x39: {  	s29 =	simm.s32 @!p0 $0x1;
	[dreg:$0x15] =	wrdreg s10;
	s11 =	simm.s32 @!p0 $0x9C00  }
0x3a: {  	[tilespmem:s11], [sflag:$0x1] =	stream.linear.gather @!p0 [hbm4b:s10+s21], $0x3200, $0x38;
	[tilespmem:$0xD000] =	vst v63  }
0x3b: {  	_ =	swait.ge @!p0 [sflag:s29], $0xC800  }
0x3c: {  	s8 =	sadd.s32 s3, s8;
	[sflag:s29] =	ssyncset.done @!p0 $0x0  }
0x3d: {  	s10 =	sadd.s32 @!p0 $0x680, s8;
	[sflag:s29] =	ssyncadd.s32 @!p0 $0xFFFF3800  }
0x3e: {  	[hbm4b:s8+s21] =	stream.linear.scatter @!p0 [tilespmem:s21], [sflag:$0x1], $0x3200, $0x38;
	[tilespmem:$0xD000] =	vst v63  }
0x3f: {  	[dreg:$0x17] =	wrdreg s10  }
0x40: {  	[hbm4b:s10+s21] =	stream.linear.scatter @!p0 [tilespmem:s12], [sflag:$0x1], $0x3200, $0x38;
	[tilespmem:$0xD000] =	vst v63  }
0x41: {  	s18 =	sshll.u32 s1, $0x3;
	[dreg:$0x16] =	wrdreg s8;
	s10 =	sadd.s32 @!p0 $0xD00, s8  }
0x42: {  	s19 =	sor.u32 $0x3, s18;
	s8 =	sadd.s32 @!p0 $0x1380, s8;
	[dreg:$0x18] =	wrdreg s10  }
0x43: {  	[hbm4b:s10+s21] =	stream.linear.scatter @!p0 [tilespmem:s13], [sflag:$0x1], $0x3200, $0x38;
	[tilespmem:$0xD000] =	vst v63  }
0x44: {  	s20 =	smul.u32 $0x1A00, s19;
	[dreg:$0x19] =	wrdreg s8  }
0x45: {  	[hbm4b:s8+s21] =	stream.linear.scatter @!p0 [tilespmem:s11], [sflag:$0x1], $0x3200, $0x38;
	[tilespmem:$0xD000] =	vst v63  }
0x46: {  	_ =	swait.ge @!p0 [sflag:s29], $0xC800  }
0x47: {  	p1 =	sgt.u32 s19, $0xF9;
	s12 =	sadd.s32 s0, s20;
	[sflag:s29] =	ssyncset.done @!p0 $0x0  }
0x48: {  	s13 =	sadd.s32 @!p1 $0x680, s12;
	s8 =	simm.s32 @!p1 $0x0;
	[sflag:s29] =	ssyncadd.s32 @!p0 $0xFFFF3800  }
0x49: {  	[tilespmem:s8], [sflag:$0x1] =	stream.linear.gather @!p1 [hbm4b:s12+s8], $0x3200, $0x38;
	[tilespmem:$0xD000] =	vst v63  }
0x4a: {  	s14 =	simm.s32 @!p1 $0x3400;
	[dreg:$0x1b] =	wrdreg s13  }
0x4b: {  	[tilespmem:s14], [sflag:$0x1] =	stream.linear.gather @!p1 [hbm4b:s13+s8], $0x3200, $0x38;
	[tilespmem:$0xD000] =	vst v63  }
0x4c: {  	[dreg:$0x1a] =	wrdreg s12;
	s13 =	sadd.s32 @!p1 $0xD00, s12  }
0x4d: {  	s16 =	simm.s32 @!p1 $0x6800;
	s12 =	sadd.s32 @!p1 $0x1380, s12;
	[dreg:$0x1c] =	wrdreg s13  }
0x4e: {  	[tilespmem:s16], [sflag:$0x1] =	stream.linear.gather @!p1 [hbm4b:s13+s8], $0x3200, $0x38;
	[tilespmem:$0xD000] =	vst v63  }
0x4f: {  	s15 =	simm.s32 @!p1 $0x1;
	[dreg:$0x1d] =	wrdreg s12;
	s13 =	simm.s32 @!p1 $0x9C00  }
0x50: {  	[tilespmem:s13], [sflag:$0x1] =	stream.linear.gather @!p1 [hbm4b:s12+s8], $0x3200, $0x38;
	[tilespmem:$0xD000] =	vst v63  }
0x51: {  	_ =	swait.ge @!p1 [sflag:s15], $0xC800  }
0x52: {  	s11 =	sadd.s32 s3, s20;
	[sflag:s15] =	ssyncset.done @!p1 $0x0  }
0x53: {  	s12 =	sadd.s32 @!p1 $0x680, s11;
	[sflag:s15] =	ssyncadd.s32 @!p1 $0xFFFF3800  }
0x54: {  	[hbm4b:s11+s8] =	stream.linear.scatter @!p1 [tilespmem:s8], [sflag:$0x1], $0x3200, $0x38;
	[tilespmem:$0xD000] =	vst v63  }
0x55: {  	[dreg:$0x1f] =	wrdreg s12  }
0x56: {  	[hbm4b:s12+s8] =	stream.linear.scatter @!p1 [tilespmem:s14], [sflag:$0x1], $0x3200, $0x38;
	[tilespmem:$0xD000] =	vst v63  }
0x57: {  	[dreg:$0x1e] =	wrdreg s11;
	s12 =	sadd.s32 @!p1 $0xD00, s11  }
0x58: {  	s22 =	sor.u32 $0x4, s18;
	s11 =	sadd.s32 @!p1 $0x1380, s11;
	[smem:$0x7E4] =	sst s12  }
0x59: {  	[hbm4b:s12+s8] =	stream.linear.scatter @!p1 [tilespmem:s16], [sflag:$0x1], $0x3200, $0x38;
	[tilespmem:$0xD000] =	vst v63  }
0x5a: {  	s23 =	smul.u32 $0x1A00, s22;
	[smem:$0x7E5] =	sst s11  }
0x5b: {  	[hbm4b:s11+s8] =	stream.linear.scatter @!p1 [tilespmem:s13], [sflag:$0x1], $0x3200, $0x38;
	[tilespmem:$0xD000] =	vst v63  }
0x5c: {  	_ =	swait.ge @!p1 [sflag:s15], $0xC800  }
0x5d: {  	p2 =	sgt.u32 s22, $0xF9;
	s11 =	sadd.s32 s0, s23;
	[sflag:s15] =	ssyncset.done @!p1 $0x0  }
0x5e: {  	s22 =	simm.s32 @!p2 $0x0;
	s13 =	sadd.s32 @!p2 $0x680, s11;
	[sflag:s15] =	ssyncadd.s32 @!p1 $0xFFFF3800  }
0x5f: {  	[tilespmem:s22], [sflag:$0x1] =	stream.linear.gather @!p2 [hbm4b:s11+s22], $0x3200, $0x38;
	[tilespmem:$0xD000] =	vst v63  }
0x60: {  	s14 =	simm.s32 @!p2 $0x3400;
	[smem:$0x7E6] =	sst s13  }
0x61: {  	[tilespmem:s14], [sflag:$0x1] =	stream.linear.gather @!p2 [hbm4b:s13+s22], $0x3200, $0x38;
	[tilespmem:$0xD000] =	vst v63  }
0x62: {  	[smem:$0x7E8] =	sst s11;
	s13 =	sadd.s32 @!p2 $0xD00, s11  }
0x63: {  	s16 =	simm.s32 @!p2 $0x6800;
	s11 =	sadd.s32 @!p2 $0x1380, s11;
	[smem:$0x7E7] =	sst s13  }
0x64: {  	[tilespmem:s16], [sflag:$0x1] =	stream.linear.gather @!p2 [hbm4b:s13+s22], $0x3200, $0x38;
	[tilespmem:$0xD000] =	vst v63  }
0x65: {  	s31 =	simm.s32 @!p2 $0x1;
	[smem:$0x7E9] =	sst s11;
	s13 =	simm.s32 @!p2 $0x9C00  }
0x66: {  	[tilespmem:s13], [sflag:$0x1] =	stream.linear.gather @!p2 [hbm4b:s11+s22], $0x3200, $0x38;
	[tilespmem:$0xD000] =	vst v63  }
0x67: {  	_ =	swait.ge @!p2 [sflag:s31], $0xC800  }
0x68: {  	s11 =	sadd.s32 s3, s23;
	[sflag:s31] =	ssyncset.done @!p2 $0x0  }
0x69: {  	s12 =	sadd.s32 @!p2 $0x680, s11;
	[sflag:s31] =	ssyncadd.s32 @!p2 $0xFFFF3800  }
0x6a: {  	[hbm4b:s11+s22] =	stream.linear.scatter @!p2 [tilespmem:s22], [sflag:$0x1], $0x3200, $0x38;
	[tilespmem:$0xD000] =	vst v63  }
0x6b: {  	[smem:$0x7EA] =	sst s12  }
0x6c: {  	[hbm4b:s12+s22] =	stream.linear.scatter @!p2 [tilespmem:s14], [sflag:$0x1], $0x3200, $0x38;
	[tilespmem:$0xD000] =	vst v63  }
0x6d: {  	[smem:$0x7EC] =	sst s11;
	s12 =	sadd.s32 @!p2 $0xD00, s11  }
0x6e: {  	s24 =	sor.u32 $0x5, s18;
	s11 =	sadd.s32 @!p2 $0x1380, s11;
	[smem:$0x7EB] =	sst s12  }
0x6f: {  	[hbm4b:s12+s22] =	stream.linear.scatter @!p2 [tilespmem:s16], [sflag:$0x1], $0x3200, $0x38;
	[tilespmem:$0xD000] =	vst v63  }
0x70: {  	s25 =	smul.u32 $0x1A00, s24;
	[smem:$0x7ED] =	sst s11  }
0x71: {  	[hbm4b:s11+s22] =	stream.linear.scatter @!p2 [tilespmem:s13], [sflag:$0x1], $0x3200, $0x38;
	[tilespmem:$0xD000] =	vst v63  }
0x72: {  	_ =	swait.ge @!p2 [sflag:s31], $0xC800  }
0x73: {  	p3 =	sgt.u32 s24, $0xF9;
	s13 =	sadd.s32 s0, s25;
	[sflag:s31] =	ssyncset.done @!p2 $0x0  }
0x74: {  	s11 =	simm.s32 @!p3 $0x0;
	s14 =	sadd.s32 @!p3 $0x680, s13;
	[sflag:s31] =	ssyncadd.s32 @!p2 $0xFFFF3800  }
0x75: {  	[tilespmem:s11], [sflag:$0x1] =	stream.linear.gather @!p3 [hbm4b:s13+s11], $0x3200, $0x38;
	[tilespmem:$0xD000] =	vst v63  }
0x76: {  	s16 =	simm.s32 @!p3 $0x3400;
	[smem:$0x7EE] =	sst s14  }
0x77: {  	[tilespmem:s16], [sflag:$0x1] =	stream.linear.gather @!p3 [hbm4b:s14+s11], $0x3200, $0x38;
	[tilespmem:$0xD000] =	vst v63  }
0x78: {  	[smem:$0x7F0] =	sst s13;
	s14 =	sadd.s32 @!p3 $0xD00, s13  }
0x79: {  	s17 =	simm.s32 @!p3 $0x6800;
	s13 =	sadd.s32 @!p3 $0x1380, s13;
	[smem:$0x7EF] =	sst s14  }
0x7a: {  	[tilespmem:s17], [sflag:$0x1] =	stream.linear.gather @!p3 [hbm4b:s14+s11], $0x3200, $0x38;
	[tilespmem:$0xD000] =	vst v63  }
0x7b: {  	s19 =	simm.s32 @!p3 $0x1;
	[smem:$0x7F1] =	sst s13;
	s14 =	simm.s32 @!p3 $0x9C00  }
0x7c: {  	[tilespmem:s14], [sflag:$0x1] =	stream.linear.gather @!p3 [hbm4b:s13+s11], $0x3200, $0x38;
	[tilespmem:$0xD000] =	vst v63  }
0x7d: {  	_ =	swait.ge @!p3 [sflag:s19], $0xC800  }
0x7e: {  	s12 =	sadd.s32 s3, s25;
	[sflag:s19] =	ssyncset.done @!p3 $0x0  }
0x7f: {  	s13 =	sadd.s32 @!p3 $0x680, s12;
	[sflag:s19] =	ssyncadd.s32 @!p3 $0xFFFF3800  }
0x80: {  	[hbm4b:s12+s11] =	stream.linear.scatter @!p3 [tilespmem:s11], [sflag:$0x1], $0x3200, $0x38;
	[tilespmem:$0xD000] =	vst v63  }
0x81: {  	[smem:$0x7F2] =	sst s13  }
0x82: {  	[hbm4b:s13+s11] =	stream.linear.scatter @!p3 [tilespmem:s16], [sflag:$0x1], $0x3200, $0x38;
	[tilespmem:$0xD000] =	vst v63  }
0x83: {  	[smem:$0x7F4] =	sst s12;
	s13 =	sadd.s32 @!p3 $0xD00, s12  }
0x84: {  	s10 =	sor.u32 $0x6, s18;
	s12 =	sadd.s32 @!p3 $0x1380, s12;
	[smem:$0x7F3] =	sst s13  }
0x85: {  	[hbm4b:s13+s11] =	stream.linear.scatter @!p3 [tilespmem:s17], [sflag:$0x1], $0x3200, $0x38;
	[tilespmem:$0xD000] =	vst v63  }
0x86: {  	s26 =	smul.u32 $0x1A00, s10;
	[smem:$0x7F5] =	sst s12  }
0x87: {  	[hbm4b:s12+s11] =	stream.linear.scatter @!p3 [tilespmem:s14], [sflag:$0x1], $0x3200, $0x38;
	[tilespmem:$0xD000] =	vst v63  }
0x88: {  	_ =	swait.ge @!p3 [sflag:s19], $0xC800  }
0x89: {  	p4 =	sgt.u32 s10, $0xF9;
	s10 =	sadd.s32 s0, s26;
	[sflag:s19] =	ssyncset.done @!p3 $0x0  }
0x8a: {  	s28 =	simm.s32 @!p4 $0x0;
	s12 =	sadd.s32 @!p4 $0x680, s10;
	[sflag:s19] =	ssyncadd.s32 @!p3 $0xFFFF3800  }
0x8b: {  	[tilespmem:s28], [sflag:$0x1] =	stream.linear.gather @!p4 [hbm4b:s10+s28], $0x3200, $0x38;
	[tilespmem:$0xD000] =	vst v63  }
0x8c: {  	s14 =	simm.s32 @!p4 $0x3400;
	[smem:$0x7F6] =	sst s12  }
0x8d: {  	[tilespmem:s14], [sflag:$0x1] =	stream.linear.gather @!p4 [hbm4b:s12+s28], $0x3200, $0x38;
	[tilespmem:$0xD000] =	vst v63  }
0x8e: {  	[smem:$0x7F8] =	sst s10;
	s12 =	sadd.s32 @!p4 $0xD00, s10  }
0x8f: {  	s16 =	simm.s32 @!p4 $0x6800;
	s10 =	sadd.s32 @!p4 $0x1380, s10;
	[smem:$0x7F7] =	sst s12  }
0x90: {  	[tilespmem:s16], [sflag:$0x1] =	stream.linear.gather @!p4 [hbm4b:s12+s28], $0x3200, $0x38;
	[tilespmem:$0xD000] =	vst v63  }
0x91: {  	s17 =	simm.s32 @!p4 $0x9C00;
	[smem:$0x7F9] =	sst s10;
	s12 =	simm.s32 @!p4 $0x1  }
0x92: {  	[tilespmem:s17], [sflag:$0x1] =	stream.linear.gather @!p4 [hbm4b:s10+s28], $0x3200, $0x38;
	[tilespmem:$0xD000] =	vst v63  }
0x93: {  	_ =	swait.ge @!p4 [sflag:s12], $0xC800  }
0x94: {  	s10 =	sadd.s32 s3, s26;
	[sflag:s12] =	ssyncset.done @!p4 $0x0  }
0x95: {  	s13 =	sadd.s32 @!p4 $0x680, s10;
	[sflag:s12] =	ssyncadd.s32 @!p4 $0xFFFF3800  }
0x96: {  	[hbm4b:s10+s28] =	stream.linear.scatter @!p4 [tilespmem:s28], [sflag:$0x1], $0x3200, $0x38;
	[tilespmem:$0xD000] =	vst v63  }
0x97: {  	[smem:$0x7FA] =	sst s13  }
0x98: {  	[hbm4b:s13+s28] =	stream.linear.scatter @!p4 [tilespmem:s14], [sflag:$0x1], $0x3200, $0x38;
	[tilespmem:$0xD000] =	vst v63  }
0x99: {  	[smem:$0x7FC] =	sst s10;
	s13 =	sadd.s32 @!p4 $0xD00, s10  }
0x9a: {  	s10 =	sadd.s32 @!p4 $0x1380, s10;
	[smem:$0x7FB] =	sst s13  }
0x9b: {  	[hbm4b:s13+s28] =	stream.linear.scatter @!p4 [tilespmem:s16], [sflag:$0x1], $0x3200, $0x38;
	[tilespmem:$0xD000] =	vst v63  }
0x9c: {  	s1 =	sshllo.u32 s1, $0x3;
	[smem:$0x7FD] =	sst s10  }
0x9d: {  	[hbm4b:s10+s28] =	stream.linear.scatter @!p4 [tilespmem:s17], [sflag:$0x1], $0x3200, $0x38;
	[tilespmem:$0xD000] =	vst v63  }
0x9e: {  	p5 =	sgt.u32 s1, $0xF9;
	s17 =	smul.u32 $0x1A00, s1;
	_ =	swait.ge @!p4 [sflag:s12], $0xC800  }
0x9f: {  	s30 =	simm.s32 @!p5 $0x1;
	[sflag:s12] =	ssyncset.done @!p4 $0x0  }
0xa0: {  	s20 =	simm.s32 @!p5 $0x0;
	s0 =	sadd.s32 s0, s17;
	[sflag:s12] =	ssyncadd.s32 @!p4 $0xFFFF3800  }
0xa1: {  	[tilespmem:s20], [sflag:$0x1] =	stream.linear.gather @!p5 [hbm4b:s0+s20], $0x3200, $0x38;
	[tilespmem:$0xD000] =	vst v63  }
0xa2: {  	s14 =	simm.s32 @!p5 $0x6800;
	s13 =	simm.s32 @!p5 $0x3400;
	s1 =	sadd.s32 @!p5 $0x680, s0  }
0xa3: {  	[tilespmem:s13], [sflag:$0x1] =	stream.linear.gather @!p5 [hbm4b:s1+s20], $0x3200, $0x38;
	[tilespmem:$0xD000] =	vst v63  }
0xa4: {  	s24 =	smov.u32 s0;
	s25 =	smov.u32 s1;
	s1 =	sadd.s32 @!p5 $0xD00, s0  }
0xa5: {  	[tilespmem:s14], [sflag:$0x1] =	stream.linear.gather @!p5 [hbm4b:s1+s20], $0x3200, $0x38;
	[tilespmem:$0xD000] =	vst v63  }
0xa6: {  	s26 =	smov.u32 s1;
	s1 =	sadd.s32 @!p5 $0x1380, s0;
	s0 =	simm.s32 @!p5 $0x9C00  }
0xa7: {  	[tilespmem:s0], [sflag:$0x1] =	stream.linear.gather @!p5 [hbm4b:s1+s20], $0x3200, $0x38;
	[tilespmem:$0xD000] =	vst v63  }
0xa8: {  	s9 =	ssub.s32 $0x2, s9;
	_ =	swait.ge @!p5 [sflag:s30], $0xC800  }
0xa9: {  	s18 =	sshrl.u32 s9, $0x1;
	[sflag:s30] =	ssyncset.done @!p5 $0x0  }
0xaa: {  	s10 =	ssub.s32 s9, s18;
	s3 =	sadd.s32 s3, s17;
	[sflag:s30] =	ssyncadd.s32 @!p5 $0xFFFF3800  }
0xab: {  	[hbm4b:s3+s20] =	stream.linear.scatter @!p5 [tilespmem:s20], [sflag:$0x1], $0x3200, $0x38;
	[tilespmem:$0xD000] =	vst v63  }
0xac: {  	s23 =	smax.u32 s10, $0x1;
	s9 =	sadd.s32 @!p5 $0x680, s3  }
0xad: {  	[hbm4b:s9+s20] =	stream.linear.scatter @!p5 [tilespmem:s13], [sflag:$0x1], $0x3200, $0x38;
	[tilespmem:$0xD000] =	vst v63  }
0xae: {  	s13 =	sadd.s32 $0xFFFFFFFF, s23  }
0xaf: {  	s10 =	sadd.s32 @!p5 $0xD00, s3;
	p6 =	sne.s32 s13, $0x0  }
0xb0: {  	[hbm4b:s10+s20] =	stream.linear.scatter @!p5 [tilespmem:s14], [sflag:$0x1], $0x3200, $0x38;
	[tilespmem:$0xD000] =	vst v63  }
.Ltmp0:
0xb1: {  	_ = 	snop;
	(pc) =	sbr.rel @!p6 .LBB2_2-.Ltmp0, $4  }
0xb2: {  	s14 =	sadd.s32 @!p5 $0x1380, s3  }
0xb3: {  	[hbm4b:s14+s20] =	stream.linear.scatter @!p5 [tilespmem:s0], [sflag:$0x1], $0x3200, $0x38;
	[tilespmem:$0xD000] =	vst v63  }
0xb4: {  	_ =	swait.ge @!p5 [sflag:s30], $0xC800  }
0xb5: {  	[sflag:s30] =	ssyncset.done @!p5 $0x0  }
.LBB2_1:
0xb6: {  	[sflag:s30] =	ssyncadd.s32 @!p5 $0xFFFF3800;
	s17 =	rddreg [dreg:$0x5]  }
0xb7: {  	[tilespmem:s2], [sflag:$0x1] =	stream.linear.gather [hbm4b:s17+s2], $0x3200, $0x38;
	[tilespmem:$0xD000] =	vst v63  }
0xb8: {  	s16 =	rddreg [dreg:$0x2]  }
0xb9: {  	[tilespmem:s4], [sflag:$0x1] =	stream.linear.gather [hbm4b:s16+s2], $0x3200, $0x38;
	[tilespmem:$0xD000] =	vst v63  }
0xba: {  	s18 =	rddreg [dreg:$0x3]  }
0xbb: {  	[tilespmem:s5], [sflag:$0x1] =	stream.linear.gather [hbm4b:s18+s2], $0x3200, $0x38;
	[tilespmem:$0xD000] =	vst v63  }
0xbc: {  	s23 =	rddreg [dreg:$0x4]  }
0xbd: {  	[tilespmem:s6], [sflag:$0x1] =	stream.linear.gather [hbm4b:s23+s2], $0x3200, $0x38;
	[tilespmem:$0xD000] =	vst v63  }
0xbe: {  	_ =	swait.ge [sflag:s7], $0xC800  }
0xbf: {  	[sflag:s7] =	ssyncset.done $0x0  }
0xc0: {  	s17 =	rddreg [dreg:$0x6];
	[sflag:s7] =	ssyncadd.s32 $0xFFFF3800  }
0xc1: {  	[hbm4b:s17+s2] =	stream.linear.scatter [tilespmem:s2], [sflag:$0x1], $0x3200, $0x38;
	[tilespmem:$0xD000] =	vst v63  }
0xc2: {  	s18 =	rddreg [dreg:$0x7]  }
0xc3: {  	[hbm4b:s18+s2] =	stream.linear.scatter [tilespmem:s4], [sflag:$0x1], $0x3200, $0x38;
	[tilespmem:$0xD000] =	vst v63  }
0xc4: {  	s23 =	rddreg [dreg:$0x8]  }
0xc5: {  	[hbm4b:s23+s2] =	stream.linear.scatter [tilespmem:s5], [sflag:$0x1], $0x3200, $0x38;
	[tilespmem:$0xD000] =	vst v63  }
0xc6: {  	s17 =	rddreg [dreg:$0x9]  }
0xc7: {  	[hbm4b:s17+s2] =	stream.linear.scatter [tilespmem:s6], [sflag:$0x1], $0x3200, $0x38;
	[tilespmem:$0xD000] =	vst v63  }
0xc8: {  	_ =	swait.ge [sflag:s7], $0xC800  }
0xc9: {  	[sflag:s7] =	ssyncset.done $0x0  }
0xca: {  	s18 =	rddreg [dreg:$0xa];
	[sflag:s7] =	ssyncadd.s32 $0xFFFF3800  }
0xcb: {  	[tilespmem:s2], [sflag:$0x1] =	stream.linear.gather [hbm4b:s18+s2], $0x3200, $0x38;
	[tilespmem:$0xD000] =	vst v63  }
0xcc: {  	s23 =	rddreg [dreg:$0xb]  }
0xcd: {  	[tilespmem:s4], [sflag:$0x1] =	stream.linear.gather [hbm4b:s23+s2], $0x3200, $0x38;
	[tilespmem:$0xD000] =	vst v63  }
0xce: {  	s17 =	rddreg [dreg:$0xc]  }
0xcf: {  	[tilespmem:s5], [sflag:$0x1] =	stream.linear.gather [hbm4b:s17+s2], $0x3200, $0x38;
	[tilespmem:$0xD000] =	vst v63  }
0xd0: {  	s18 =	rddreg [dreg:$0xd]  }
0xd1: {  	[tilespmem:s6], [sflag:$0x1] =	stream.linear.gather [hbm4b:s18+s2], $0x3200, $0x38;
	[tilespmem:$0xD000] =	vst v63  }
0xd2: {  	_ =	swait.ge [sflag:s7], $0xC800  }
0xd3: {  	[sflag:s7] =	ssyncset.done $0x0  }
0xd4: {  	s23 =	rddreg [dreg:$0xe];
	[sflag:s7] =	ssyncadd.s32 $0xFFFF3800  }
0xd5: {  	[hbm4b:s23+s2] =	stream.linear.scatter [tilespmem:s2], [sflag:$0x1], $0x3200, $0x38;
	[tilespmem:$0xD000] =	vst v63  }
0xd6: {  	s17 =	rddreg [dreg:$0xf]  }
0xd7: {  	[hbm4b:s17+s2] =	stream.linear.scatter [tilespmem:s4], [sflag:$0x1], $0x3200, $0x38;
	[tilespmem:$0xD000] =	vst v63  }
0xd8: {  	s18 =	rddreg [dreg:$0x10]  }
0xd9: {  	[hbm4b:s18+s2] =	stream.linear.scatter [tilespmem:s5], [sflag:$0x1], $0x3200, $0x38;
	[tilespmem:$0xD000] =	vst v63  }
0xda: {  	s23 =	rddreg [dreg:$0x11]  }
0xdb: {  	[hbm4b:s23+s2] =	stream.linear.scatter [tilespmem:s6], [sflag:$0x1], $0x3200, $0x38;
	[tilespmem:$0xD000] =	vst v63  }
0xdc: {  	_ =	swait.ge [sflag:s7], $0xC800  }
0xdd: {  	[sflag:s7] =	ssyncset.done $0x0  }
0xde: {  	s16 =	rddreg [dreg:$0x12];
	[sflag:s7] =	ssyncadd.s32 $0xFFFF3800  }
0xdf: {  	[tilespmem:s21], [sflag:$0x1] =	stream.linear.gather @!p0 [hbm4b:s16+s21], $0x3200, $0x38;
	[tilespmem:$0xD000] =	vst v63  }
0xe0: {  	s17 =	simm.s32 @!p0 $0x3400;
	s16 =	rddreg [dreg:$0x13]  }
0xe1: {  	[tilespmem:s17], [sflag:$0x1] =	stream.linear.gather @!p0 [hbm4b:s16+s21], $0x3200, $0x38;
	[tilespmem:$0xD000] =	vst v63  }
0xe2: {  	s18 =	simm.s32 @!p0 $0x6800;
	s16 =	rddreg [dreg:$0x14]  }
0xe3: {  	[tilespmem:s18], [sflag:$0x1] =	stream.linear.gather @!p0 [hbm4b:s16+s21], $0x3200, $0x38;
	[tilespmem:$0xD000] =	vst v63  }
0xe4: {  	s23 =	simm.s32 @!p0 $0x9C00;
	s16 =	rddreg [dreg:$0x15]  }
0xe5: {  	[tilespmem:s23], [sflag:$0x1] =	stream.linear.gather @!p0 [hbm4b:s16+s21], $0x3200, $0x38;
	[tilespmem:$0xD000] =	vst v63  }
0xe6: {  	_ =	swait.ge @!p0 [sflag:s29], $0xC800  }
0xe7: {  	[sflag:s29] =	ssyncset.done @!p0 $0x0  }
0xe8: {  	s16 =	rddreg [dreg:$0x16];
	[sflag:s29] =	ssyncadd.s32 @!p0 $0xFFFF3800  }
0xe9: {  	[hbm4b:s16+s21] =	stream.linear.scatter @!p0 [tilespmem:s21], [sflag:$0x1], $0x3200, $0x38;
	[tilespmem:$0xD000] =	vst v63  }
0xea: {  	s16 =	rddreg [dreg:$0x17]  }
0xeb: {  	[hbm4b:s16+s21] =	stream.linear.scatter @!p0 [tilespmem:s17], [sflag:$0x1], $0x3200, $0x38;
	[tilespmem:$0xD000] =	vst v63  }
0xec: {  	s16 =	rddreg [dreg:$0x18]  }
0xed: {  	[hbm4b:s16+s21] =	stream.linear.scatter @!p0 [tilespmem:s18], [sflag:$0x1], $0x3200, $0x38;
	[tilespmem:$0xD000] =	vst v63  }
0xee: {  	s16 =	rddreg [dreg:$0x19]  }
0xef: {  	[hbm4b:s16+s21] =	stream.linear.scatter @!p0 [tilespmem:s23], [sflag:$0x1], $0x3200, $0x38;
	[tilespmem:$0xD000] =	vst v63  }
0xf0: {  	_ =	swait.ge @!p0 [sflag:s29], $0xC800  }
0xf1: {  	[sflag:s29] =	ssyncset.done @!p0 $0x0  }
0xf2: {  	s16 =	rddreg [dreg:$0x1a];
	[sflag:s29] =	ssyncadd.s32 @!p0 $0xFFFF3800  }
0xf3: {  	[tilespmem:s8], [sflag:$0x1] =	stream.linear.gather @!p1 [hbm4b:s16+s8], $0x3200, $0x38;
	[tilespmem:$0xD000] =	vst v63  }
0xf4: {  	s17 =	simm.s32 @!p1 $0x3400;
	s16 =	rddreg [dreg:$0x1b]  }
0xf5: {  	[tilespmem:s17], [sflag:$0x1] =	stream.linear.gather @!p1 [hbm4b:s16+s8], $0x3200, $0x38;
	[tilespmem:$0xD000] =	vst v63  }
0xf6: {  	s18 =	simm.s32 @!p1 $0x6800;
	s16 =	rddreg [dreg:$0x1c]  }
0xf7: {  	[tilespmem:s18], [sflag:$0x1] =	stream.linear.gather @!p1 [hbm4b:s16+s8], $0x3200, $0x38;
	[tilespmem:$0xD000] =	vst v63  }
0xf8: {  	s23 =	simm.s32 @!p1 $0x9C00;
	s16 =	rddreg [dreg:$0x1d]  }
0xf9: {  	[tilespmem:s23], [sflag:$0x1] =	stream.linear.gather @!p1 [hbm4b:s16+s8], $0x3200, $0x38;
	[tilespmem:$0xD000] =	vst v63  }
0xfa: {  	_ =	swait.ge @!p1 [sflag:s15], $0xC800  }
0xfb: {  	[sflag:s15] =	ssyncset.done @!p1 $0x0  }
0xfc: {  	s16 =	rddreg [dreg:$0x1e];
	[sflag:s15] =	ssyncadd.s32 @!p1 $0xFFFF3800  }
0xfd: {  	[hbm4b:s16+s8] =	stream.linear.scatter @!p1 [tilespmem:s8], [sflag:$0x1], $0x3200, $0x38;
	[tilespmem:$0xD000] =	vst v63  }
0xfe: {  	s16 =	rddreg [dreg:$0x1f]  }
0xff: {  	[hbm4b:s16+s8] =	stream.linear.scatter @!p1 [tilespmem:s17], [sflag:$0x1], $0x3200, $0x38;
	[tilespmem:$0xD000] =	vst v63  }
0x100: {  	s16 =	sld [smem:$0x7E4];
	_ =	sdelay $0x2  }
0x101: {  	[hbm4b:s16+s8] =	stream.linear.scatter @!p1 [tilespmem:s18], [sflag:$0x1], $0x3200, $0x38;
	[tilespmem:$0xD000] =	vst v63  }
0x102: {  	s16 =	sld [smem:$0x7E5];
	_ =	sdelay $0x2  }
0x103: {  	[hbm4b:s16+s8] =	stream.linear.scatter @!p1 [tilespmem:s23], [sflag:$0x1], $0x3200, $0x38;
	[tilespmem:$0xD000] =	vst v63  }
0x104: {  	_ =	swait.ge @!p1 [sflag:s15], $0xC800  }
0x105: {  	s16 =	sld [smem:$0x7E8]  }
0x106: {  	[sflag:s15] =	ssyncset.done @!p1 $0x0  }
0x107: {  	[sflag:s15] =	ssyncadd.s32 @!p1 $0xFFFF3800  }
0x108: {  	[tilespmem:s22], [sflag:$0x1] =	stream.linear.gather @!p2 [hbm4b:s16+s22], $0x3200, $0x38;
	[tilespmem:$0xD000] =	vst v63  }
0x109: {  	s16 =	sld [smem:$0x7E6];
	_ =	sdelay $0x1  }
0x10a: {  	s17 =	simm.s32 @!p2 $0x3400  }
0x10b: {  	[tilespmem:s17], [sflag:$0x1] =	stream.linear.gather @!p2 [hbm4b:s16+s22], $0x3200, $0x38;
	[tilespmem:$0xD000] =	vst v63  }
0x10c: {  	s16 =	sld [smem:$0x7E7];
	_ =	sdelay $0x1  }
0x10d: {  	s18 =	simm.s32 @!p2 $0x6800  }
0x10e: {  	[tilespmem:s18], [sflag:$0x1] =	stream.linear.gather @!p2 [hbm4b:s16+s22], $0x3200, $0x38;
	[tilespmem:$0xD000] =	vst v63  }
0x10f: {  	s16 =	sld [smem:$0x7E9];
	_ =	sdelay $0x1  }
0x110: {  	s23 =	simm.s32 @!p2 $0x9C00  }
0x111: {  	[tilespmem:s23], [sflag:$0x1] =	stream.linear.gather @!p2 [hbm4b:s16+s22], $0x3200, $0x38;
	[tilespmem:$0xD000] =	vst v63  }
0x112: {  	_ =	swait.ge @!p2 [sflag:s31], $0xC800  }
0x113: {  	s16 =	sld [smem:$0x7EC]  }
0x114: {  	[sflag:s31] =	ssyncset.done @!p2 $0x0  }
0x115: {  	[sflag:s31] =	ssyncadd.s32 @!p2 $0xFFFF3800  }
0x116: {  	[hbm4b:s16+s22] =	stream.linear.scatter @!p2 [tilespmem:s22], [sflag:$0x1], $0x3200, $0x38;
	[tilespmem:$0xD000] =	vst v63  }
0x117: {  	s16 =	sld [smem:$0x7EA];
	_ =	sdelay $0x2  }
0x118: {  	[hbm4b:s16+s22] =	stream.linear.scatter @!p2 [tilespmem:s17], [sflag:$0x1], $0x3200, $0x38;
	[tilespmem:$0xD000] =	vst v63  }
0x119: {  	s16 =	sld [smem:$0x7EB];
	_ =	sdelay $0x2  }
0x11a: {  	[hbm4b:s16+s22] =	stream.linear.scatter @!p2 [tilespmem:s18], [sflag:$0x1], $0x3200, $0x38;
	[tilespmem:$0xD000] =	vst v63  }
0x11b: {  	s16 =	sld [smem:$0x7ED];
	_ =	sdelay $0x2  }
0x11c: {  	[hbm4b:s16+s22] =	stream.linear.scatter @!p2 [tilespmem:s23], [sflag:$0x1], $0x3200, $0x38;
	[tilespmem:$0xD000] =	vst v63  }
0x11d: {  	_ =	swait.ge @!p2 [sflag:s31], $0xC800  }
0x11e: {  	s16 =	sld [smem:$0x7F0]  }
0x11f: {  	[sflag:s31] =	ssyncset.done @!p2 $0x0  }
0x120: {  	[sflag:s31] =	ssyncadd.s32 @!p2 $0xFFFF3800  }
0x121: {  	[tilespmem:s11], [sflag:$0x1] =	stream.linear.gather @!p3 [hbm4b:s16+s11], $0x3200, $0x38;
	[tilespmem:$0xD000] =	vst v63  }
0x122: {  	s16 =	sld [smem:$0x7EE];
	_ =	sdelay $0x1  }
0x123: {  	s17 =	simm.s32 @!p3 $0x3400  }
0x124: {  	[tilespmem:s17], [sflag:$0x1] =	stream.linear.gather @!p3 [hbm4b:s16+s11], $0x3200, $0x38;
	[tilespmem:$0xD000] =	vst v63  }
0x125: {  	s16 =	sld [smem:$0x7EF];
	_ =	sdelay $0x1  }
0x126: {  	s18 =	simm.s32 @!p3 $0x6800  }
0x127: {  	[tilespmem:s18], [sflag:$0x1] =	stream.linear.gather @!p3 [hbm4b:s16+s11], $0x3200, $0x38;
	[tilespmem:$0xD000] =	vst v63  }
0x128: {  	s16 =	sld [smem:$0x7F1];
	_ =	sdelay $0x1  }
0x129: {  	s23 =	simm.s32 @!p3 $0x9C00  }
0x12a: {  	[tilespmem:s23], [sflag:$0x1] =	stream.linear.gather @!p3 [hbm4b:s16+s11], $0x3200, $0x38;
	[tilespmem:$0xD000] =	vst v63  }
0x12b: {  	_ =	swait.ge @!p3 [sflag:s19], $0xC800  }
0x12c: {  	s16 =	sld [smem:$0x7F4]  }
0x12d: {  	[sflag:s19] =	ssyncset.done @!p3 $0x0  }
0x12e: {  	[sflag:s19] =	ssyncadd.s32 @!p3 $0xFFFF3800  }
0x12f: {  	[hbm4b:s16+s11] =	stream.linear.scatter @!p3 [tilespmem:s11], [sflag:$0x1], $0x3200, $0x38;
	[tilespmem:$0xD000] =	vst v63  }
0x130: {  	s16 =	sld [smem:$0x7F2];
	_ =	sdelay $0x2  }
0x131: {  	[hbm4b:s16+s11] =	stream.linear.scatter @!p3 [tilespmem:s17], [sflag:$0x1], $0x3200, $0x38;
	[tilespmem:$0xD000] =	vst v63  }
0x132: {  	s16 =	sld [smem:$0x7F3];
	_ =	sdelay $0x2  }
0x133: {  	[hbm4b:s16+s11] =	stream.linear.scatter @!p3 [tilespmem:s18], [sflag:$0x1], $0x3200, $0x38;
	[tilespmem:$0xD000] =	vst v63  }
0x134: {  	s16 =	sld [smem:$0x7F5];
	_ =	sdelay $0x2  }
0x135: {  	[hbm4b:s16+s11] =	stream.linear.scatter @!p3 [tilespmem:s23], [sflag:$0x1], $0x3200, $0x38;
	[tilespmem:$0xD000] =	vst v63  }
0x136: {  	_ =	swait.ge @!p3 [sflag:s19], $0xC800  }
0x137: {  	s16 =	sld [smem:$0x7F8]  }
0x138: {  	[sflag:s19] =	ssyncset.done @!p3 $0x0  }
0x139: {  	[sflag:s19] =	ssyncadd.s32 @!p3 $0xFFFF3800  }
0x13a: {  	[tilespmem:s28], [sflag:$0x1] =	stream.linear.gather @!p4 [hbm4b:s16+s28], $0x3200, $0x38;
	[tilespmem:$0xD000] =	vst v63  }
0x13b: {  	s16 =	sld [smem:$0x7F6];
	_ =	sdelay $0x1  }
0x13c: {  	s17 =	simm.s32 @!p4 $0x3400  }
0x13d: {  	[tilespmem:s17], [sflag:$0x1] =	stream.linear.gather @!p4 [hbm4b:s16+s28], $0x3200, $0x38;
	[tilespmem:$0xD000] =	vst v63  }
0x13e: {  	s16 =	sld [smem:$0x7F7];
	_ =	sdelay $0x1  }
0x13f: {  	s18 =	simm.s32 @!p4 $0x6800  }
0x140: {  	[tilespmem:s18], [sflag:$0x1] =	stream.linear.gather @!p4 [hbm4b:s16+s28], $0x3200, $0x38;
	[tilespmem:$0xD000] =	vst v63  }
0x141: {  	s16 =	sld [smem:$0x7F9];
	_ =	sdelay $0x1  }
0x142: {  	s23 =	simm.s32 @!p4 $0x9C00  }
0x143: {  	[tilespmem:s23], [sflag:$0x1] =	stream.linear.gather @!p4 [hbm4b:s16+s28], $0x3200, $0x38;
	[tilespmem:$0xD000] =	vst v63  }
0x144: {  	_ =	swait.ge @!p4 [sflag:s12], $0xC800  }
0x145: {  	s16 =	sld [smem:$0x7FC]  }
0x146: {  	[sflag:s12] =	ssyncset.done @!p4 $0x0  }
0x147: {  	[sflag:s12] =	ssyncadd.s32 @!p4 $0xFFFF3800  }
0x148: {  	[hbm4b:s16+s28] =	stream.linear.scatter @!p4 [tilespmem:s28], [sflag:$0x1], $0x3200, $0x38;
	[tilespmem:$0xD000] =	vst v63  }
0x149: {  	s16 =	sld [smem:$0x7FA];
	_ =	sdelay $0x2  }
0x14a: {  	[hbm4b:s16+s28] =	stream.linear.scatter @!p4 [tilespmem:s17], [sflag:$0x1], $0x3200, $0x38;
	[tilespmem:$0xD000] =	vst v63  }
0x14b: {  	s16 =	sld [smem:$0x7FB];
	_ =	sdelay $0x2  }
0x14c: {  	[hbm4b:s16+s28] =	stream.linear.scatter @!p4 [tilespmem:s18], [sflag:$0x1], $0x3200, $0x38;
	[tilespmem:$0xD000] =	vst v63  }
0x14d: {  	s16 =	sld [smem:$0x7FD];
	_ =	sdelay $0x2  }
0x14e: {  	[hbm4b:s16+s28] =	stream.linear.scatter @!p4 [tilespmem:s23], [sflag:$0x1], $0x3200, $0x38;
	[tilespmem:$0xD000] =	vst v63  }
0x14f: {  	_ =	swait.ge @!p4 [sflag:s12], $0xC800  }
0x150: {  	[sflag:s12] =	ssyncset.done @!p4 $0x0  }
0x151: {  	[sflag:s12] =	ssyncadd.s32 @!p4 $0xFFFF3800  }
0x152: {  	[tilespmem:s20], [sflag:$0x1] =	stream.linear.gather @!p5 [hbm4b:s24+s20], $0x3200, $0x38;
	[tilespmem:$0xD000] =	vst v63  }
0x153: {  	s16 =	simm.s32 @!p5 $0x3400  }
0x154: {  	[tilespmem:s16], [sflag:$0x1] =	stream.linear.gather @!p5 [hbm4b:s25+s20], $0x3200, $0x38;
	[tilespmem:$0xD000] =	vst v63  }
0x155: {  	s17 =	simm.s32 @!p5 $0x6800  }
0x156: {  	[tilespmem:s17], [sflag:$0x1] =	stream.linear.gather @!p5 [hbm4b:s26+s20], $0x3200, $0x38;
	[tilespmem:$0xD000] =	vst v63  }
0x157: {  	_ = 	snop  }
0x158: {  	[tilespmem:s0], [sflag:$0x1] =	stream.linear.gather @!p5 [hbm4b:s1+s20], $0x3200, $0x38;
	[tilespmem:$0xD000] =	vst v63  }
0x159: {  	_ =	swait.ge @!p5 [sflag:s30], $0xC800  }
0x15a: {  	[sflag:s30] =	ssyncset.done @!p5 $0x0  }
0x15b: {  	[sflag:s30] =	ssyncadd.s32 @!p5 $0xFFFF3800  }
0x15c: {  	[hbm4b:s3+s20] =	stream.linear.scatter @!p5 [tilespmem:s20], [sflag:$0x1], $0x3200, $0x38;
	[tilespmem:$0xD000] =	vst v63  }
0x15d: {  	s13 =	sadd.s32 $0xFFFFFFFF, s13  }
0x15e: {  	[hbm4b:s9+s20] =	stream.linear.scatter @!p5 [tilespmem:s16], [sflag:$0x1], $0x3200, $0x38;
	[tilespmem:$0xD000] =	vst v63  }
0x15f: {  	p6 =	sne.s32 s13, $0x0  }
0x160: {  	[hbm4b:s10+s20] =	stream.linear.scatter @!p5 [tilespmem:s17], [sflag:$0x1], $0x3200, $0x38;
	[tilespmem:$0xD000] =	vst v63  }
.Ltmp1:
0x161: {  	_ = 	snop;
	(pc) =	sbr.rel @p6 .LBB2_1-.Ltmp1, $4  }
0x162: {  	_ = 	snop  }
0x163: {  	[hbm4b:s14+s20] =	stream.linear.scatter @!p5 [tilespmem:s0], [sflag:$0x1], $0x3200, $0x38;
	[tilespmem:$0xD000] =	vst v63  }
0x164: {  	_ =	swait.ge @!p5 [sflag:s30], $0xC800  }
0x165: {  	[sflag:s30] =	ssyncset.done @!p5 $0x0  }
.LBB2_2:
0x166: {  	[sflag:s30] =	ssyncadd.s32 @!p5 $0xFFFF3800  }
0x167: {  	_ =	sfence.sel $0x180000  }
0x168: {  	[bflag:$0x0] =	sbarrier.arrive $0xFFFF  }
0x169: {  	_ =	strace $0x90000047  }
0x16a: {  	s0 =	stileid.u32;
	[bflag:$0x2] =	sbarrier.arrive $0xFFFF  }
0x16b: {  	p0 =	sne.s32 s0, $0x0;
	s0 =	rddreg [dreg:$0x1]  }
0x16c: {  	s0 =	sadd.s32 @!p0 $0x100000, s0  }
0x16d: {  	[sflag:s0] =	ssyncadd.tile.s32 @!p0 $0x1;
	_ =	shalt  }
.Lfunc_end2:
_tile_overlayer_lowered:
.L_overlay_start_2:
0x16e: {  	(tag) =	ssettag $0x2  }
0x16f: {  	s0 =	rddreg [dreg:$0x0];
	s2 =	stileid.u32  }
0x170: {  	s1 =	rddreg [dreg:$0x1];
	p0 =	sne.s32 s2, $0x0  }
0x171: {  	s3 =	rddreg [dreg:$0x2];
	[bflag:$0x3] =	sbarrier.arrive $0xFFFF;
	s2 =	simm.s32 @!p0 $0x1C01  }
0x172: {  	[timem:s3], [sflag:s2] =	dma.local @!p0 [hbm:s0], s1  }
0x173: {  	s0 =	simm.s32 @!p0 $0x1  }
0x174: {  	_ =	swait.ge @!p0 [sflag:s0], s1  }
0x175: {  	s1 =	ssub.s32 @!p0 $0x0, s1;
	[sflag:s0] =	ssyncset.done @!p0 $0x0  }
0x176: {  	[sflag:s0] =	ssyncadd.s32 @!p0 s1  }
0x177: {  	[bflag:$0x3] =	sbarrier.arrive $0xFFFF  }
0x178: {  	_ =	shalt  }

</sc_bundles>
